<compile_context>
chip_gen: v7x
topology: tpu7x:2x2x1
jax: 0.10.2.dev20260603
libtpu: 0.0.44.dev20260713+nightly
codegen_flags: <defaults>
</compile_context>

<pallas_src>
import functools

import jax
import jax.numpy as jnp
from jax import lax
from jax.experimental import pallas as pl
from jax.experimental.pallas import tpu as pltpu
from jax.experimental.pallas import tpu_sc as plsc

B = 64
N_FRAMES = 128
FRAME_LEN = 256
T = N_FRAMES * FRAME_LEN
N_RATES = 16
FPB = 16
COLS = FPB * FRAME_LEN
NCHUNK = N_FRAMES // FPB
NBUF = 8
HB = B // 2
NWORK = 32
RPW = B // NWORK



def _sc_sample_body(rd_hbm, out_hbm, rbuf, obuf):
    w = lax.axis_index("s") * 2 + lax.axis_index("c")
    pltpu.sync_copy(rd_hbm.at[pl.ds(w * RPW, RPW), :], rbuf)
    iota = lax.iota(jnp.int32, 16)
    packed = jnp.zeros((16,), jnp.float32)
    for r in range(RPW):
        v = rbuf[r]
        m = v
        for sh in (8, 4, 2, 1):
            m = jnp.maximum(m, m.at[iota ^ sh].get(mode="promise_in_bounds"))
        idx = jnp.where(v == m, iota, N_RATES)
        for sh in (8, 4, 2, 1):
            idx = jnp.minimum(idx, idx.at[iota ^ sh].get(mode="promise_in_bounds"))
        rate = 0.5 + 0.1 * idx.astype(jnp.float32)
        packed = jnp.where(iota == r, m, packed)
        packed = jnp.where(iota == RPW + r, rate * rate, packed)
    obuf[...] = packed
    pltpu.sync_copy(obuf, out_hbm.at[w])


def _sc_sample(rd):
    mesh = plsc.VectorSubcoreMesh(core_axis_name="c", subcore_axis_name="s")
    kern = functools.partial(
        pl.kernel,
        mesh=mesh,
        out_type=jax.ShapeDtypeStruct((NWORK, 16), jnp.float32),
        scratch_types=[pltpu.VMEM((RPW, 16), jnp.float32),
                       pltpu.VMEM((16,), jnp.float32)],
    )(_sc_sample_body)
    return kern(rd)



def _copies(x_ref, bufs, sems, c):
    j = c % NBUF
    cols = pl.ds(c * COLS, COLS)
    return (
        pltpu.make_async_copy(x_ref.at[pl.ds(0, HB), cols],
                              bufs.at[j, pl.ds(0, HB)], sems.at[j, 0]),
        pltpu.make_async_copy(x_ref.at[pl.ds(HB, HB), cols],
                              bufs.at[j, pl.ds(HB, HB)], sems.at[j, 1]),
    )


def _dense_body(x_ref, mask_ref, w_ref, s_ref, u_ref, bufs, sems):
    for c in range(NBUF):
        for cp in _copies(x_ref, bufs, sems, c):
            cp.start()

    u = jnp.zeros((B, N_RATES), jnp.float32)
    for c in range(NCHUNK):
        for cp in _copies(x_ref, bufs, sems, c):
            cp.wait()
        xb = bufs[c % NBUF]
        eb = jnp.dot(xb * xb, s_ref[...],
                     preferred_element_type=jnp.float32)
        em = eb * mask_ref[c] * (1.0 / FRAME_LEN)
        u = u + jnp.dot(em, w_ref[pl.ds(c * FPB, FPB), :],
                        preferred_element_type=jnp.float32)
        if c + NBUF < NCHUNK:
            for cp in _copies(x_ref, bufs, sems, c + NBUF):
                cp.start()
    u_ref[...] = u


def _dense(x, mask3, W_sal, s):
    vm = pltpu.VMEM
    return pl.pallas_call(
        _dense_body,
        in_specs=[
            pl.BlockSpec(memory_space=pl.ANY),
            pl.BlockSpec(memory_space=vm),
            pl.BlockSpec(memory_space=vm),
            pl.BlockSpec(memory_space=vm),
        ],
        out_specs=pl.BlockSpec(memory_space=vm),
        out_shape=jax.ShapeDtypeStruct((B, N_RATES), jnp.float32),
        scratch_shapes=[pltpu.VMEM((NBUF, B, COLS), jnp.float32),
                        pltpu.SemaphoreType.DMA((NBUF, 2))],
    )(x, mask3, W_sal, s)



def _combine_body(u_ref, m_ref, r2_ref, rd_ref, ic_ref, b_ref, out_ref):
    logits = r2_ref[...] * u_ref[...] + b_ref[...]
    lmax = jnp.max(logits, axis=-1, keepdims=True)
    ex = jnp.exp(logits - lmax)
    sal = ex / jnp.sum(ex, axis=-1, keepdims=True)

    lane = jax.lax.broadcasted_iota(jnp.int32, logits.shape, 1)
    onehot = (lane == ic_ref[...]).astype(jnp.float32)
    sal_ic = jnp.sum(sal * onehot, axis=-1)
    l1 = 1.0 - sal_ic
    m = m_ref[...][:, 0]
    mult = m * jnp.log(m)
    loss1 = jnp.sum(l1 * mult) * (1.0 / B)

    rd = rd_ref[...]
    ent = jnp.sum(-rd * jnp.log(rd + 1e-12)) * (1.0 / B)
    out_ref[...] = jnp.reshape(loss1 - 0.01 * ent, (1, 1))


def _combine(u, m64, r2, rd, ic, b2):
    vm = pltpu.VMEM
    return pl.pallas_call(
        _combine_body,
        in_specs=[pl.BlockSpec(memory_space=vm)] * 6,
        out_specs=pl.BlockSpec(memory_space=vm),
        out_shape=jax.ShapeDtypeStruct((1, 1), jnp.float32),
    )(u, m64, r2, rd, ic, b2)


def kernel(x, rate_distribution, mask_sample, intent_cats, W_sal, b_sal):
    mask3 = mask_sample.reshape(B, NCHUNK, FPB).transpose(1, 0, 2)
    ic = intent_cats.astype(jnp.int32).reshape(B, 1)
    b2 = b_sal.reshape(1, N_RATES)
    s = (jax.lax.broadcasted_iota(jnp.int32, (COLS, FPB), 0) // FRAME_LEN
         == jax.lax.broadcasted_iota(jnp.int32, (COLS, FPB), 1)
         ).astype(jnp.float32)

    samp = _sc_sample(rate_distribution)
    u = _dense(x, mask3, W_sal, s)

    m64 = samp[:, :RPW].reshape(B, 1)
    r2 = samp[:, RPW:2 * RPW].reshape(B, 1)
    out = _combine(u, m64, r2, rate_distribution, ic, b2)
    return out[0, 0]

# --- scband reference (transcript-rebuilt; emitter-appended) ---
"""Pipeline reference for scband-rate-loss-884763263273 (READ-ONLY COPY).

The authoritative reference and input builder live on the scoring server;
editing this copy changes nothing except your own understanding.
"""

import jax, jax.numpy as jnp
import numpy as np

EXPLOITATION_PROB = 1.0  # hparams.exploitation_prob: force deterministic argmax branch
LAMBDA_ENTROPY = 0.01    # hparams.lambda_entropy
B = 64
N_FRAMES = 128
FRAME_LEN = 256
T = N_FRAMES * FRAME_LEN
N_RATES = 16
N_INTENTS = 16


def setup_inputs(seed: int = 0) -> dict:
    key = jax.random.key(seed)
    k1, k2, k3, k4, k5 = jax.random.split(key, 5)
    x = jax.random.normal(k1, (B, T), dtype=jnp.float32)
    rd = jax.random.uniform(k2, (B, N_RATES), dtype=jnp.float32) + 1e-3
    rate_distribution = rd / jnp.sum(rd, axis=-1, keepdims=True)  # valid probs
    mask_sample = jax.random.uniform(k3, (B, N_FRAMES, 1), dtype=jnp.float32)
    intent_cats = jax.random.randint(k4, (B,), 0, N_INTENTS)
    W_sal = jax.random.normal(k5, (N_FRAMES, N_INTENTS), dtype=jnp.float32) * 0.05
    b_sal = jnp.zeros((N_INTENTS,), dtype=jnp.float32)
    return {"x": x, "rate_distribution": rate_distribution, "mask_sample": mask_sample,
            "intent_cats": intent_cats, "W_sal": W_sal, "b_sal": b_sal}


def _wsola(mask, rate, speech):
    # stand-in for the external WSOLA time-scale-modification module:
    # rate-scaled speech + per-frame energy, masked
    mod_speech = speech * rate[:, None]
    frames = mod_speech.reshape(speech.shape[0], N_FRAMES, FRAME_LEN)
    mod_e = jnp.mean(frames * frames, axis=-1) * mask
    return mod_speech, mod_e, None


def _model_saliency(mod_speech, mod_e, W, b):
    # stand-in saliency model: linear head on frame energies -> softmax over intents
    logits = mod_e @ W + b
    sal = jax.nn.softmax(logits, axis=-1)
    return None, None, None, sal


def _additional_criterion(p):
    # mean entropy of the rate distribution
    return jnp.mean(jnp.sum(-p * jnp.log(p + 1e-12), axis=-1))


def reference(x, rate_distribution, mask_sample, intent_cats, W_sal, b_sal):
    # exploitation branch (np.random.rand() <= exploitation_prob with prob=1.0)
    index = jnp.argmax(rate_distribution, axis=-1)
    rate = 0.5 + 0.1 * index.astype(jnp.float32)
    mod_speech, mod_e, _ = _wsola(mask_sample[:, :, 0], rate, x)
    _, _, _, mod_saliency = _model_saliency(mod_speech, mod_e, W_sal, b_sal)
    loss_rate_l1 = 1.0 - jnp.take_along_axis(mod_saliency, intent_cats.reshape(-1, 1), axis=1).reshape(-1)
    corresp_probs = jnp.take_along_axis(rate_distribution, index.reshape(-1, 1), axis=1).reshape(-1)
    log_corresp_prob = jnp.log(corresp_probs)
    unbiased_multiplier = jax.lax.stop_gradient(corresp_probs) * log_corresp_prob
    loss_rate_l1 = jnp.mean(jax.lax.stop_gradient(loss_rate_l1) * unbiased_multiplier)
    loss_rate_ent = -1.0 * _additional_criterion(rate_distribution)
    loss_rate = loss_rate_l1 + LAMBDA_ENTROPY * loss_rate_ent
    return loss_rate

if __name__ == "__main__":
    import jax
    _d = setup_inputs()
    print(jax.jit(kernel)(*tuple(_d.values())))

</pallas_src>

<mosaic_0001>
#map = affine_map<(d0, d1) -> (0, 0)>
module attributes {stable_mosaic.version = 14 : i64} {
  func.func @_sc_sample_body(%arg0: i32, %arg1: i32, %arg2: memref<64x16xf32, #tpu.memory_space<hbm>>, %arg3: memref<32x16xf32, #tpu.memory_space<hbm>>, %arg4: memref<2x16xf32, #tpu.memory_space<vmem>>, %arg5: memref<16xf32, #tpu.memory_space<vmem>>) attributes {dimension_semantics = [#tpu.dimension_semantics<core_parallel>, #tpu.dimension_semantics<subcore_parallel>], iteration_bounds = array<i64: 2, 16>, scalar_prefetch = 0 : i64, scratch_operands = 2 : i64, tpu.core_type = #tpu.core_type<sc_vector_subcore>, window_params = [{transform_indices = #map}, {transform_indices = #map}]} {
    %mul3A = arith.constant 2 : i32
    %mul3A_0 = arith.muli %arg1, %mul3A : i32
    %add3A = arith.addi %mul3A_0, %arg0 : i32
    %mul3A_1 = arith.constant 2 : i32
    %mul3A_2 = arith.muli %add3A, %mul3A_1 : i32
    "tpu.region"() ({
      %run_scoped3A = tpu.sem_alloc : memref<!tpu.dma_semaphore, #tpu.memory_space<semaphore_mem>>
      %dma_start3A = arith.constant 0 : i32
      %dma_start3A_271 = tpu.memref_slice %arg2[%mul3A_2, %dma_start3A] : memref<64x16xf32, #tpu.memory_space<hbm>> -> memref<2x16xf32, #tpu.memory_space<hbm>>
      %dma_start3A_272 = arith.constant 0 : i32
      %dma_start3A_273 = tpu.memref_slice %arg2[%mul3A_2, %dma_start3A_272] : memref<64x16xf32, #tpu.memory_space<hbm>> -> memref<2x16xf32, #tpu.memory_space<hbm>>
      tpu.enqueue_dma source(%dma_start3A_273 : memref<2x16xf32, #tpu.memory_space<hbm>>) target(%arg4 : memref<2x16xf32, #tpu.memory_space<vmem>>) target_semaphore(%run_scoped3A : memref<!tpu.dma_semaphore, #tpu.memory_space<semaphore_mem>>)
      %dma_wait3A = arith.constant 0 : i32
      %dma_wait3A_274 = tpu.memref_slice %arg2[%mul3A_2, %dma_wait3A] : memref<64x16xf32, #tpu.memory_space<hbm>> -> memref<2x16xf32, #tpu.memory_space<hbm>>
      %dma_wait3A_275 = arith.constant 0 : i32
      %dma_wait3A_276 = tpu.memref_slice %arg2[%mul3A_2, %dma_wait3A_275] : memref<64x16xf32, #tpu.memory_space<hbm>> -> memref<2x16xf32, #tpu.memory_space<hbm>>
      tpu.wait_dma2 semaphore(%run_scoped3A : memref<!tpu.dma_semaphore, #tpu.memory_space<semaphore_mem>>) src(%dma_wait3A_276 : memref<2x16xf32, #tpu.memory_space<hbm>>) dst(%arg4 : memref<2x16xf32, #tpu.memory_space<vmem>>)
      tpu.yield
    }) : () -> ()
    %iota3A = tpu.iota {dimensions = array<i32: 0>} : vector<16xi32>
    %broadcast_in_dim3A = arith.constant 0.000000e+00 : f32
    %broadcast_in_dim3A_3 = vector.broadcast %broadcast_in_dim3A : f32 to vector<16xf32>
    %get3A = arith.constant 0 : i32
    %get3A_4 = arith.index_cast %get3A : i32 to index
    %get3A_5 = arith.constant 0 : index
    %get3A_6 = tpu.vector_load %arg4[%get3A_4, %get3A_5] {strides = array<i32>} : memref<2x16xf32, #tpu.memory_space<vmem>>, vector<1x16xf32>,
    %get3A_7 = vector.shape_cast %get3A_6 : vector<1x16xf32> to vector<16xf32>
    %xor3A = arith.constant 8 : i32
    %xor3A_8 = vector.broadcast %xor3A : i32 to vector<16xi32>
    %xor3A_9 = arith.xori %iota3A, %xor3A_8 : vector<16xi32>
    %lt3A = arith.constant 0 : i32
    %lt3A_10 = vector.broadcast %lt3A : i32 to vector<16xi32>
    %lt3A_11 = arith.cmpi slt, %xor3A_9, %lt3A_10 : vector<16xi32>
    %add3A_12 = arith.constant 16 : i32
    %add3A_13 = vector.broadcast %add3A_12 : i32 to vector<16xi32>
    %add3A_14 = arith.addi %xor3A_9, %add3A_13 : vector<16xi32>
    %select_n3A = arith.select %lt3A_11, %add3A_14, %xor3A_9 : vector<16xi1>, vector<16xi32>
    %broadcast_in_dim3A_15 = vector.shape_cast %select_n3A : vector<16xi32> to vector<16x1xi32>
    %gather3A = vector.shape_cast %broadcast_in_dim3A_15 : vector<16x1xi32> to vector<16xi32>
    %gather3A_16 = tpu.dynamic_gather %get3A_7[%gather3A] in [0] : vector<16xf32>, vector<16xi32> -> vector<16xf32>
    %max3A = arith.maximumf %get3A_7, %gather3A_16 : vector<16xf32>
    %xor3A_17 = arith.constant 4 : i32
    %xor3A_18 = vector.broadcast %xor3A_17 : i32 to vector<16xi32>
    %xor3A_19 = arith.xori %iota3A, %xor3A_18 : vector<16xi32>
    %lt3A_20 = arith.constant 0 : i32
    %lt3A_21 = vector.broadcast %lt3A_20 : i32 to vector<16xi32>
    %lt3A_22 = arith.cmpi slt, %xor3A_19, %lt3A_21 : vector<16xi32>
    %add3A_23 = arith.constant 16 : i32
    %add3A_24 = vector.broadcast %add3A_23 : i32 to vector<16xi32>
    %add3A_25 = arith.addi %xor3A_19, %add3A_24 : vector<16xi32>
    %select_n3A_26 = arith.select %lt3A_22, %add3A_25, %xor3A_19 : vector<16xi1>, vector<16xi32>
    %broadcast_in_dim3A_27 = vector.shape_cast %select_n3A_26 : vector<16xi32> to vector<16x1xi32>
    %gather3A_28 = vector.shape_cast %broadcast_in_dim3A_27 : vector<16x1xi32> to vector<16xi32>
    %gather3A_29 = tpu.dynamic_gather %max3A[%gather3A_28] in [0] : vector<16xf32>, vector<16xi32> -> vector<16xf32>
    %max3A_30 = arith.maximumf %max3A, %gather3A_29 : vector<16xf32>
    %xor3A_31 = arith.constant 2 : i32
    %xor3A_32 = vector.broadcast %xor3A_31 : i32 to vector<16xi32>
    %xor3A_33 = arith.xori %iota3A, %xor3A_32 : vector<16xi32>
    %lt3A_34 = arith.constant 0 : i32
    %lt3A_35 = vector.broadcast %lt3A_34 : i32 to vector<16xi32>
    %lt3A_36 = arith.cmpi slt, %xor3A_33, %lt3A_35 : vector<16xi32>
    %add3A_37 = arith.constant 16 : i32
    %add3A_38 = vector.broadcast %add3A_37 : i32 to vector<16xi32>
    %add3A_39 = arith.addi %xor3A_33, %add3A_38 : vector<16xi32>
    %select_n3A_40 = arith.select %lt3A_36, %add3A_39, %xor3A_33 : vector<16xi1>, vector<16xi32>
    %broadcast_in_dim3A_41 = vector.shape_cast %select_n3A_40 : vector<16xi32> to vector<16x1xi32>
    %gather3A_42 = vector.shape_cast %broadcast_in_dim3A_41 : vector<16x1xi32> to vector<16xi32>
    %gather3A_43 = tpu.dynamic_gather %max3A_30[%gather3A_42] in [0] : vector<16xf32>, vector<16xi32> -> vector<16xf32>
    %max3A_44 = arith.maximumf %max3A_30, %gather3A_43 : vector<16xf32>
    %xor3A_45 = arith.constant 1 : i32
    %xor3A_46 = vector.broadcast %xor3A_45 : i32 to vector<16xi32>
    %xor3A_47 = arith.xori %iota3A, %xor3A_46 : vector<16xi32>
    %lt3A_48 = arith.constant 0 : i32
    %lt3A_49 = vector.broadcast %lt3A_48 : i32 to vector<16xi32>
    %lt3A_50 = arith.cmpi slt, %xor3A_47, %lt3A_49 : vector<16xi32>
    %add3A_51 = arith.constant 16 : i32
    %add3A_52 = vector.broadcast %add3A_51 : i32 to vector<16xi32>
    %add3A_53 = arith.addi %xor3A_47, %add3A_52 : vector<16xi32>
    %select_n3A_54 = arith.select %lt3A_50, %add3A_53, %xor3A_47 : vector<16xi1>, vector<16xi32>
    %broadcast_in_dim3A_55 = vector.shape_cast %select_n3A_54 : vector<16xi32> to vector<16x1xi32>
    %gather3A_56 = vector.shape_cast %broadcast_in_dim3A_55 : vector<16x1xi32> to vector<16xi32>
    %gather3A_57 = tpu.dynamic_gather %max3A_44[%gather3A_56] in [0] : vector<16xf32>, vector<16xi32> -> vector<16xf32>
    %max3A_58 = arith.maximumf %max3A_44, %gather3A_57 : vector<16xf32>
    %eq3A = arith.cmpf oeq, %get3A_7, %max3A_58 : vector<16xf32>
    %jit3A = arith.constant 16 : i32
    %broadcast_in_dim3A_59 = vector.broadcast %jit3A : i32 to vector<16xi32>
    %select_n3A_60 = arith.select %eq3A, %iota3A, %broadcast_in_dim3A_59 : vector<16xi1>, vector<16xi32>
    %xor3A_61 = arith.constant 8 : i32
    %xor3A_62 = vector.broadcast %xor3A_61 : i32 to vector<16xi32>
    %xor3A_63 = arith.xori %iota3A, %xor3A_62 : vector<16xi32>
    %lt3A_64 = arith.constant 0 : i32
    %lt3A_65 = vector.broadcast %lt3A_64 : i32 to vector<16xi32>
    %lt3A_66 = arith.cmpi slt, %xor3A_63, %lt3A_65 : vector<16xi32>
    %add3A_67 = arith.constant 16 : i32
    %add3A_68 = vector.broadcast %add3A_67 : i32 to vector<16xi32>
    %add3A_69 = arith.addi %xor3A_63, %add3A_68 : vector<16xi32>
    %select_n3A_70 = arith.select %lt3A_66, %add3A_69, %xor3A_63 : vector<16xi1>, vector<16xi32>
    %broadcast_in_dim3A_71 = vector.shape_cast %select_n3A_70 : vector<16xi32> to vector<16x1xi32>
    %gather3A_72 = vector.shape_cast %broadcast_in_dim3A_71 : vector<16x1xi32> to vector<16xi32>
    %gather3A_73 = tpu.dynamic_gather %select_n3A_60[%gather3A_72] in [0] : vector<16xi32>, vector<16xi32> -> vector<16xi32>
    %min3A = arith.minsi %select_n3A_60, %gather3A_73 : vector<16xi32>
    %xor3A_74 = arith.constant 4 : i32
    %xor3A_75 = vector.broadcast %xor3A_74 : i32 to vector<16xi32>
    %xor3A_76 = arith.xori %iota3A, %xor3A_75 : vector<16xi32>
    %lt3A_77 = arith.constant 0 : i32
    %lt3A_78 = vector.broadcast %lt3A_77 : i32 to vector<16xi32>
    %lt3A_79 = arith.cmpi slt, %xor3A_76, %lt3A_78 : vector<16xi32>
    %add3A_80 = arith.constant 16 : i32
    %add3A_81 = vector.broadcast %add3A_80 : i32 to vector<16xi32>
    %add3A_82 = arith.addi %xor3A_76, %add3A_81 : vector<16xi32>
    %select_n3A_83 = arith.select %lt3A_79, %add3A_82, %xor3A_76 : vector<16xi1>, vector<16xi32>
    %broadcast_in_dim3A_84 = vector.shape_cast %select_n3A_83 : vector<16xi32> to vector<16x1xi32>
    %gather3A_85 = vector.shape_cast %broadcast_in_dim3A_84 : vector<16x1xi32> to vector<16xi32>
    %gather3A_86 = tpu.dynamic_gather %min3A[%gather3A_85] in [0] : vector<16xi32>, vector<16xi32> -> vector<16xi32>
    %min3A_87 = arith.minsi %min3A, %gather3A_86 : vector<16xi32>
    %xor3A_88 = arith.constant 2 : i32
    %xor3A_89 = vector.broadcast %xor3A_88 : i32 to vector<16xi32>
    %xor3A_90 = arith.xori %iota3A, %xor3A_89 : vector<16xi32>
    %lt3A_91 = arith.constant 0 : i32
    %lt3A_92 = vector.broadcast %lt3A_91 : i32 to vector<16xi32>
    %lt3A_93 = arith.cmpi slt, %xor3A_90, %lt3A_92 : vector<16xi32>
    %add3A_94 = arith.constant 16 : i32
    %add3A_95 = vector.broadcast %add3A_94 : i32 to vector<16xi32>
    %add3A_96 = arith.addi %xor3A_90, %add3A_95 : vector<16xi32>
    %select_n3A_97 = arith.select %lt3A_93, %add3A_96, %xor3A_90 : vector<16xi1>, vector<16xi32>
    %broadcast_in_dim3A_98 = vector.shape_cast %select_n3A_97 : vector<16xi32> to vector<16x1xi32>
    %gather3A_99 = vector.shape_cast %broadcast_in_dim3A_98 : vector<16x1xi32> to vector<16xi32>
    %gather3A_100 = tpu.dynamic_gather %min3A_87[%gather3A_99] in [0] : vector<16xi32>, vector<16xi32> -> vector<16xi32>
    %min3A_101 = arith.minsi %min3A_87, %gather3A_100 : vector<16xi32>
    %xor3A_102 = arith.constant 1 : i32
    %xor3A_103 = vector.broadcast %xor3A_102 : i32 to vector<16xi32>
    %xor3A_104 = arith.xori %iota3A, %xor3A_103 : vector<16xi32>
    %lt3A_105 = arith.constant 0 : i32
    %lt3A_106 = vector.broadcast %lt3A_105 : i32 to vector<16xi32>
    %lt3A_107 = arith.cmpi slt, %xor3A_104, %lt3A_106 : vector<16xi32>
    %add3A_108 = arith.constant 16 : i32
    %add3A_109 = vector.broadcast %add3A_108 : i32 to vector<16xi32>
    %add3A_110 = arith.addi %xor3A_104, %add3A_109 : vector<16xi32>
    %select_n3A_111 = arith.select %lt3A_107, %add3A_110, %xor3A_104 : vector<16xi1>, vector<16xi32>
    %broadcast_in_dim3A_112 = vector.shape_cast %select_n3A_111 : vector<16xi32> to vector<16x1xi32>
    %gather3A_113 = vector.shape_cast %broadcast_in_dim3A_112 : vector<16x1xi32> to vector<16xi32>
    %gather3A_114 = tpu.dynamic_gather %min3A_101[%gather3A_113] in [0] : vector<16xi32>, vector<16xi32> -> vector<16xi32>
    %min3A_115 = arith.minsi %min3A_101, %gather3A_114 : vector<16xi32>
    %convert_element_type3A = arith.sitofp %min3A_115 : vector<16xi32> to vector<16xf32>
    %mul3A_116 = arith.constant 1.000000e-01 : f32
    %mul3A_117 = vector.broadcast %mul3A_116 : f32 to vector<16xf32>
    %mul3A_118 = arith.mulf %mul3A_117, %convert_element_type3A : vector<16xf32>
    %add3A_119 = arith.constant 5.000000e-01 : f32
    %add3A_120 = vector.broadcast %add3A_119 : f32 to vector<16xf32>
    %add3A_121 = arith.addf %add3A_120, %mul3A_118 : vector<16xf32>
    %eq3A_122 = arith.constant 0 : i32
    %eq3A_123 = vector.broadcast %eq3A_122 : i32 to vector<16xi32>
    %eq3A_124 = arith.cmpi eq, %iota3A, %eq3A_123 : vector<16xi32>
    %select_n3A_125 = arith.select %eq3A_124, %max3A_58, %broadcast_in_dim3A_3 : vector<16xi1>, vector<16xf32>
    %eq3A_126 = arith.constant 2 : i32
    %eq3A_127 = vector.broadcast %eq3A_126 : i32 to vector<16xi32>
    %eq3A_128 = arith.cmpi eq, %iota3A, %eq3A_127 : vector<16xi32>
    %mul3A_129 = arith.mulf %add3A_121, %add3A_121 : vector<16xf32>
    %select_n3A_130 = arith.select %eq3A_128, %mul3A_129, %select_n3A_125 : vector<16xi1>, vector<16xf32>
    %get3A_131 = arith.constant 1 : i32
    %get3A_132 = arith.index_cast %get3A_131 : i32 to index
    %get3A_133 = arith.constant 0 : index
    %get3A_134 = tpu.vector_load %arg4[%get3A_132, %get3A_133] {strides = array<i32>} : memref<2x16xf32, #tpu.memory_space<vmem>>, vector<1x16xf32>,
    %get3A_135 = vector.shape_cast %get3A_134 : vector<1x16xf32> to vector<16xf32>
    %xor3A_136 = arith.constant 8 : i32
    %xor3A_137 = vector.broadcast %xor3A_136 : i32 to vector<16xi32>
    %xor3A_138 = arith.xori %iota3A, %xor3A_137 : vector<16xi32>
    %lt3A_139 = arith.constant 0 : i32
    %lt3A_140 = vector.broadcast %lt3A_139 : i32 to vector<16xi32>
    %lt3A_141 = arith.cmpi slt, %xor3A_138, %lt3A_140 : vector<16xi32>
    %add3A_142 = arith.constant 16 : i32
    %add3A_143 = vector.broadcast %add3A_142 : i32 to vector<16xi32>
    %add3A_144 = arith.addi %xor3A_138, %add3A_143 : vector<16xi32>
    %select_n3A_145 = arith.select %lt3A_141, %add3A_144, %xor3A_138 : vector<16xi1>, vector<16xi32>
    %broadcast_in_dim3A_146 = vector.shape_cast %select_n3A_145 : vector<16xi32> to vector<16x1xi32>
    %gather3A_147 = vector.shape_cast %broadcast_in_dim3A_146 : vector<16x1xi32> to vector<16xi32>
    %gather3A_148 = tpu.dynamic_gather %get3A_135[%gather3A_147] in [0] : vector<16xf32>, vector<16xi32> -> vector<16xf32>
    %max3A_149 = arith.maximumf %get3A_135, %gather3A_148 : vector<16xf32>
    %xor3A_150 = arith.constant 4 : i32
    %xor3A_151 = vector.broadcast %xor3A_150 : i32 to vector<16xi32>
    %xor3A_152 = arith.xori %iota3A, %xor3A_151 : vector<16xi32>
    %lt3A_153 = arith.constant 0 : i32
    %lt3A_154 = vector.broadcast %lt3A_153 : i32 to vector<16xi32>
    %lt3A_155 = arith.cmpi slt, %xor3A_152, %lt3A_154 : vector<16xi32>
    %add3A_156 = arith.constant 16 : i32
    %add3A_157 = vector.broadcast %add3A_156 : i32 to vector<16xi32>
    %add3A_158 = arith.addi %xor3A_152, %add3A_157 : vector<16xi32>
    %select_n3A_159 = arith.select %lt3A_155, %add3A_158, %xor3A_152 : vector<16xi1>, vector<16xi32>
    %broadcast_in_dim3A_160 = vector.shape_cast %select_n3A_159 : vector<16xi32> to vector<16x1xi32>
    %gather3A_161 = vector.shape_cast %broadcast_in_dim3A_160 : vector<16x1xi32> to vector<16xi32>
    %gather3A_162 = tpu.dynamic_gather %max3A_149[%gather3A_161] in [0] : vector<16xf32>, vector<16xi32> -> vector<16xf32>
    %max3A_163 = arith.maximumf %max3A_149, %gather3A_162 : vector<16xf32>
    %xor3A_164 = arith.constant 2 : i32
    %xor3A_165 = vector.broadcast %xor3A_164 : i32 to vector<16xi32>
    %xor3A_166 = arith.xori %iota3A, %xor3A_165 : vector<16xi32>
    %lt3A_167 = arith.constant 0 : i32
    %lt3A_168 = vector.broadcast %lt3A_167 : i32 to vector<16xi32>
    %lt3A_169 = arith.cmpi slt, %xor3A_166, %lt3A_168 : vector<16xi32>
    %add3A_170 = arith.constant 16 : i32
    %add3A_171 = vector.broadcast %add3A_170 : i32 to vector<16xi32>
    %add3A_172 = arith.addi %xor3A_166, %add3A_171 : vector<16xi32>
    %select_n3A_173 = arith.select %lt3A_169, %add3A_172, %xor3A_166 : vector<16xi1>, vector<16xi32>
    %broadcast_in_dim3A_174 = vector.shape_cast %select_n3A_173 : vector<16xi32> to vector<16x1xi32>
    %gather3A_175 = vector.shape_cast %broadcast_in_dim3A_174 : vector<16x1xi32> to vector<16xi32>
    %gather3A_176 = tpu.dynamic_gather %max3A_163[%gather3A_175] in [0] : vector<16xf32>, vector<16xi32> -> vector<16xf32>
    %max3A_177 = arith.maximumf %max3A_163, %gather3A_176 : vector<16xf32>
    %xor3A_178 = arith.constant 1 : i32
    %xor3A_179 = vector.broadcast %xor3A_178 : i32 to vector<16xi32>
    %xor3A_180 = arith.xori %iota3A, %xor3A_179 : vector<16xi32>
    %lt3A_181 = arith.constant 0 : i32
    %lt3A_182 = vector.broadcast %lt3A_181 : i32 to vector<16xi32>
    %lt3A_183 = arith.cmpi slt, %xor3A_180, %lt3A_182 : vector<16xi32>
    %add3A_184 = arith.constant 16 : i32
    %add3A_185 = vector.broadcast %add3A_184 : i32 to vector<16xi32>
    %add3A_186 = arith.addi %xor3A_180, %add3A_185 : vector<16xi32>
    %select_n3A_187 = arith.select %lt3A_183, %add3A_186, %xor3A_180 : vector<16xi1>, vector<16xi32>
    %broadcast_in_dim3A_188 = vector.shape_cast %select_n3A_187 : vector<16xi32> to vector<16x1xi32>
    %gather3A_189 = vector.shape_cast %broadcast_in_dim3A_188 : vector<16x1xi32> to vector<16xi32>
    %gather3A_190 = tpu.dynamic_gather %max3A_177[%gather3A_189] in [0] : vector<16xf32>, vector<16xi32> -> vector<16xf32>
    %max3A_191 = arith.maximumf %max3A_177, %gather3A_190 : vector<16xf32>
    %eq3A_192 = arith.cmpf oeq, %get3A_135, %max3A_191 : vector<16xf32>
    %jit3A_193 = arith.constant 16 : i32
    %broadcast_in_dim3A_194 = vector.broadcast %jit3A_193 : i32 to vector<16xi32>
    %select_n3A_195 = arith.select %eq3A_192, %iota3A, %broadcast_in_dim3A_194 : vector<16xi1>, vector<16xi32>
    %xor3A_196 = arith.constant 8 : i32
    %xor3A_197 = vector.broadcast %xor3A_196 : i32 to vector<16xi32>
    %xor3A_198 = arith.xori %iota3A, %xor3A_197 : vector<16xi32>
    %lt3A_199 = arith.constant 0 : i32
    %lt3A_200 = vector.broadcast %lt3A_199 : i32 to vector<16xi32>
    %lt3A_201 = arith.cmpi slt, %xor3A_198, %lt3A_200 : vector<16xi32>
    %add3A_202 = arith.constant 16 : i32
    %add3A_203 = vector.broadcast %add3A_202 : i32 to vector<16xi32>
    %add3A_204 = arith.addi %xor3A_198, %add3A_203 : vector<16xi32>
    %select_n3A_205 = arith.select %lt3A_201, %add3A_204, %xor3A_198 : vector<16xi1>, vector<16xi32>
    %broadcast_in_dim3A_206 = vector.shape_cast %select_n3A_205 : vector<16xi32> to vector<16x1xi32>
    %gather3A_207 = vector.shape_cast %broadcast_in_dim3A_206 : vector<16x1xi32> to vector<16xi32>
    %gather3A_208 = tpu.dynamic_gather %select_n3A_195[%gather3A_207] in [0] : vector<16xi32>, vector<16xi32> -> vector<16xi32>
    %min3A_209 = arith.minsi %select_n3A_195, %gather3A_208 : vector<16xi32>
    %xor3A_210 = arith.constant 4 : i32
    %xor3A_211 = vector.broadcast %xor3A_210 : i32 to vector<16xi32>
    %xor3A_212 = arith.xori %iota3A, %xor3A_211 : vector<16xi32>
    %lt3A_213 = arith.constant 0 : i32
    %lt3A_214 = vector.broadcast %lt3A_213 : i32 to vector<16xi32>
    %lt3A_215 = arith.cmpi slt, %xor3A_212, %lt3A_214 : vector<16xi32>
    %add3A_216 = arith.constant 16 : i32
    %add3A_217 = vector.broadcast %add3A_216 : i32 to vector<16xi32>
    %add3A_218 = arith.addi %xor3A_212, %add3A_217 : vector<16xi32>
    %select_n3A_219 = arith.select %lt3A_215, %add3A_218, %xor3A_212 : vector<16xi1>, vector<16xi32>
    %broadcast_in_dim3A_220 = vector.shape_cast %select_n3A_219 : vector<16xi32> to vector<16x1xi32>
    %gather3A_221 = vector.shape_cast %broadcast_in_dim3A_220 : vector<16x1xi32> to vector<16xi32>
    %gather3A_222 = tpu.dynamic_gather %min3A_209[%gather3A_221] in [0] : vector<16xi32>, vector<16xi32> -> vector<16xi32>
    %min3A_223 = arith.minsi %min3A_209, %gather3A_222 : vector<16xi32>
    %xor3A_224 = arith.constant 2 : i32
    %xor3A_225 = vector.broadcast %xor3A_224 : i32 to vector<16xi32>
    %xor3A_226 = arith.xori %iota3A, %xor3A_225 : vector<16xi32>
    %lt3A_227 = arith.constant 0 : i32
    %lt3A_228 = vector.broadcast %lt3A_227 : i32 to vector<16xi32>
    %lt3A_229 = arith.cmpi slt, %xor3A_226, %lt3A_228 : vector<16xi32>
    %add3A_230 = arith.constant 16 : i32
    %add3A_231 = vector.broadcast %add3A_230 : i32 to vector<16xi32>
    %add3A_232 = arith.addi %xor3A_226, %add3A_231 : vector<16xi32>
    %select_n3A_233 = arith.select %lt3A_229, %add3A_232, %xor3A_226 : vector<16xi1>, vector<16xi32>
    %broadcast_in_dim3A_234 = vector.shape_cast %select_n3A_233 : vector<16xi32> to vector<16x1xi32>
    %gather3A_235 = vector.shape_cast %broadcast_in_dim3A_234 : vector<16x1xi32> to vector<16xi32>
    %gather3A_236 = tpu.dynamic_gather %min3A_223[%gather3A_235] in [0] : vector<16xi32>, vector<16xi32> -> vector<16xi32>
    %min3A_237 = arith.minsi %min3A_223, %gather3A_236 : vector<16xi32>
    %xor3A_238 = arith.constant 1 : i32
    %xor3A_239 = vector.broadcast %xor3A_238 : i32 to vector<16xi32>
    %xor3A_240 = arith.xori %iota3A, %xor3A_239 : vector<16xi32>
    %lt3A_241 = arith.constant 0 : i32
    %lt3A_242 = vector.broadcast %lt3A_241 : i32 to vector<16xi32>
    %lt3A_243 = arith.cmpi slt, %xor3A_240, %lt3A_242 : vector<16xi32>
    %add3A_244 = arith.constant 16 : i32
    %add3A_245 = vector.broadcast %add3A_244 : i32 to vector<16xi32>
    %add3A_246 = arith.addi %xor3A_240, %add3A_245 : vector<16xi32>
    %select_n3A_247 = arith.select %lt3A_243, %add3A_246, %xor3A_240 : vector<16xi1>, vector<16xi32>
    %broadcast_in_dim3A_248 = vector.shape_cast %select_n3A_247 : vector<16xi32> to vector<16x1xi32>
    %gather3A_249 = vector.shape_cast %broadcast_in_dim3A_248 : vector<16x1xi32> to vector<16xi32>
    %gather3A_250 = tpu.dynamic_gather %min3A_237[%gather3A_249] in [0] : vector<16xi32>, vector<16xi32> -> vector<16xi32>
    %min3A_251 = arith.minsi %min3A_237, %gather3A_250 : vector<16xi32>
    %convert_element_type3A_252 = arith.sitofp %min3A_251 : vector<16xi32> to vector<16xf32>
    %mul3A_253 = arith.constant 1.000000e-01 : f32
    %mul3A_254 = vector.broadcast %mul3A_253 : f32 to vector<16xf32>
    %mul3A_255 = arith.mulf %mul3A_254, %convert_element_type3A_252 : vector<16xf32>
    %add3A_256 = arith.constant 5.000000e-01 : f32
    %add3A_257 = vector.broadcast %add3A_256 : f32 to vector<16xf32>
    %add3A_258 = arith.addf %add3A_257, %mul3A_255 : vector<16xf32>
    %eq3A_259 = arith.constant 1 : i32
    %eq3A_260 = vector.broadcast %eq3A_259 : i32 to vector<16xi32>
    %eq3A_261 = arith.cmpi eq, %iota3A, %eq3A_260 : vector<16xi32>
    %select_n3A_262 = arith.select %eq3A_261, %max3A_191, %select_n3A_130 : vector<16xi1>, vector<16xf32>
    %eq3A_263 = arith.constant 3 : i32
    %eq3A_264 = vector.broadcast %eq3A_263 : i32 to vector<16xi32>
    %eq3A_265 = arith.cmpi eq, %iota3A, %eq3A_264 : vector<16xi32>
    %mul3A_266 = arith.mulf %add3A_258, %add3A_258 : vector<16xf32>
    %select_n3A_267 = arith.select %eq3A_265, %mul3A_266, %select_n3A_262 : vector<16xi1>, vector<16xf32>
    %swap3A = arith.constant 0 : index
    %swap3A_268 = tpu.vector_load %arg5[%swap3A] {strides = array<i32>} : memref<16xf32, #tpu.memory_space<vmem>>, vector<16xf32>,
    %swap3A_269 = vector.shape_cast %swap3A_268 : vector<16xf32> to vector<16xf32>
    %swap3A_270 = vector.shape_cast %select_n3A_267 : vector<16xf32> to vector<16xf32>
    tpu.vector_store %arg5[%swap3A], %swap3A_270 {strides = array<i32>} : memref<16xf32, #tpu.memory_space<vmem>>, vector<16xf32>,
    "tpu.region"() ({
      %run_scoped3A = tpu.sem_alloc : memref<!tpu.dma_semaphore, #tpu.memory_space<semaphore_mem>>
      %dma_start3A = arith.constant 0 : i32
      %dma_start3A_271 = tpu.memref_slice %arg3[%add3A, %dma_start3A] : memref<32x16xf32, #tpu.memory_space<hbm>> -> memref<1x16xf32, #tpu.memory_space<hbm>>
      %dma_start3A_272 = tpu.memref_squeeze %dma_start3A_271 : memref<1x16xf32, #tpu.memory_space<hbm>> -> memref<16xf32, #tpu.memory_space<hbm>>
      %dma_start3A_273 = arith.constant 0 : i32
      %dma_start3A_274 = tpu.memref_slice %arg3[%add3A, %dma_start3A_273] : memref<32x16xf32, #tpu.memory_space<hbm>> -> memref<1x16xf32, #tpu.memory_space<hbm>>
      %dma_start3A_275 = tpu.memref_squeeze %dma_start3A_274 : memref<1x16xf32, #tpu.memory_space<hbm>> -> memref<16xf32, #tpu.memory_space<hbm>>
      tpu.enqueue_dma source(%arg5 : memref<16xf32, #tpu.memory_space<vmem>>) target(%dma_start3A_275 : memref<16xf32, #tpu.memory_space<hbm>>) target_semaphore(%run_scoped3A : memref<!tpu.dma_semaphore, #tpu.memory_space<semaphore_mem>>)
      %dma_wait3A = arith.constant 0 : i32
      %dma_wait3A_276 = tpu.memref_slice %arg3[%add3A, %dma_wait3A] : memref<32x16xf32, #tpu.memory_space<hbm>> -> memref<1x16xf32, #tpu.memory_space<hbm>>
      %dma_wait3A_277 = tpu.memref_squeeze %dma_wait3A_276 : memref<1x16xf32, #tpu.memory_space<hbm>> -> memref<16xf32, #tpu.memory_space<hbm>>
      %dma_wait3A_278 = arith.constant 0 : i32
      %dma_wait3A_279 = tpu.memref_slice %arg3[%add3A, %dma_wait3A_278] : memref<32x16xf32, #tpu.memory_space<hbm>> -> memref<1x16xf32, #tpu.memory_space<hbm>>
      %dma_wait3A_280 = tpu.memref_squeeze %dma_wait3A_279 : memref<1x16xf32, #tpu.memory_space<hbm>> -> memref<16xf32, #tpu.memory_space<hbm>>
      tpu.wait_dma2 semaphore(%run_scoped3A : memref<!tpu.dma_semaphore, #tpu.memory_space<semaphore_mem>>) src(%arg5 : memref<16xf32, #tpu.memory_space<vmem>>) dst(%dma_wait3A_280 : memref<16xf32, #tpu.memory_space<hbm>>)
      tpu.yield
    }) : () -> ()
    return
  }
}

module attributes {stable_mosaic.version = 14 : i64} {
  func.func @_dense_body(%arg0: memref<64x32768xf32, #tpu.memory_space<any>>, %arg1: memref<8x64x16xf32, #tpu.memory_space<vmem>>, %arg2: memref<128x16xf32, #tpu.memory_space<vmem>>, %arg3: memref<4096x16xf32, #tpu.memory_space<vmem>>, %arg4: memref<64x16xf32, #tpu.memory_space<vmem>>, %arg5: memref<8x64x4096xf32, #tpu.memory_space<vmem>>, %arg6: memref<8x2x!tpu.dma_semaphore, #tpu.memory_space<semaphore_mem>>) attributes {dimension_semantics = [], scalar_prefetch = 0 : i64, scratch_operands = 2 : i64, tpu.core_type = #tpu.core_type<tc>} {
    %dma_start3A = arith.constant 0 : i32
    %dma_start3A_0 = arith.constant 0 : i32
    %dma_start3A_1 = arith.constant 0 : i32
    %dma_start3A_2 = tpu.memref_slice %arg6[%dma_start3A_0, %dma_start3A_1] : memref<8x2x!tpu.dma_semaphore, #tpu.memory_space<semaphore_mem>> -> memref<1x1x!tpu.dma_semaphore, #tpu.memory_space<semaphore_mem>>
    %dma_start3A_3 = tpu.memref_squeeze %dma_start3A_2 : memref<1x1x!tpu.dma_semaphore, #tpu.memory_space<semaphore_mem>> -> memref<!tpu.dma_semaphore, #tpu.memory_space<semaphore_mem>>
    %dma_start3A_4 = arith.constant 0 : i32
    %dma_start3A_5 = arith.constant 0 : i32
    %dma_start3A_6 = tpu.memref_slice %arg5[%dma_start3A, %dma_start3A_4, %dma_start3A_5] : memref<8x64x4096xf32, #tpu.memory_space<vmem>> -> memref<1x32x4096xf32, #tpu.memory_space<vmem>>
    %dma_start3A_7 = tpu.memref_squeeze %dma_start3A_6 : memref<1x32x4096xf32, #tpu.memory_space<vmem>> -> memref<32x4096xf32, #tpu.memory_space<vmem>>
    %dma_start3A_8 = arith.constant 0 : i32
    %dma_start3A_9 = arith.constant 0 : i32
    %dma_start3A_10 = tpu.memref_slice %arg0[%dma_start3A_8, %dma_start3A_9] : memref<64x32768xf32, #tpu.memory_space<any>> -> memref<32x4096xf32, #tpu.memory_space<any>>
    tpu.enqueue_dma source(%dma_start3A_10 : memref<32x4096xf32, #tpu.memory_space<any>>) target(%dma_start3A_7 : memref<32x4096xf32, #tpu.memory_space<vmem>>) target_semaphore(%dma_start3A_3 : memref<!tpu.dma_semaphore, #tpu.memory_space<semaphore_mem>>)
    %dma_start3A_11 = arith.constant 0 : i32
    %dma_start3A_12 = arith.constant 0 : i32
    %dma_start3A_13 = arith.constant 1 : i32
    %dma_start3A_14 = tpu.memref_slice %arg6[%dma_start3A_12, %dma_start3A_13] : memref<8x2x!tpu.dma_semaphore, #tpu.memory_space<semaphore_mem>> -> memref<1x1x!tpu.dma_semaphore, #tpu.memory_space<semaphore_mem>>
    %dma_start3A_15 = tpu.memref_squeeze %dma_start3A_14 : memref<1x1x!tpu.dma_semaphore, #tpu.memory_space<semaphore_mem>> -> memref<!tpu.dma_semaphore, #tpu.memory_space<semaphore_mem>>
    %dma_start3A_16 = arith.constant 32 : i32
    %dma_start3A_17 = arith.constant 0 : i32
    %dma_start3A_18 = tpu.memref_slice %arg5[%dma_start3A_11, %dma_start3A_16, %dma_start3A_17] : memref<8x64x4096xf32, #tpu.memory_space<vmem>> -> memref<1x32x4096xf32, #tpu.memory_space<vmem>>
    %dma_start3A_19 = tpu.memref_squeeze %dma_start3A_18 : memref<1x32x4096xf32, #tpu.memory_space<vmem>> -> memref<32x4096xf32, #tpu.memory_space<vmem>>
    %dma_start3A_20 = arith.constant 32 : i32
    %dma_start3A_21 = arith.constant 0 : i32
    %dma_start3A_22 = tpu.memref_slice %arg0[%dma_start3A_20, %dma_start3A_21] : memref<64x32768xf32, #tpu.memory_space<any>> -> memref<32x4096xf32, #tpu.memory_space<any>>
    tpu.enqueue_dma source(%dma_start3A_22 : memref<32x4096xf32, #tpu.memory_space<any>>) target(%dma_start3A_19 : memref<32x4096xf32, #tpu.memory_space<vmem>>) target_semaphore(%dma_start3A_15 : memref<!tpu.dma_semaphore, #tpu.memory_space<semaphore_mem>>)
    %dma_start3A_23 = arith.constant 1 : i32
    %dma_start3A_24 = arith.constant 1 : i32
    %dma_start3A_25 = arith.constant 0 : i32
    %dma_start3A_26 = tpu.memref_slice %arg6[%dma_start3A_24, %dma_start3A_25] : memref<8x2x!tpu.dma_semaphore, #tpu.memory_space<semaphore_mem>> -> memref<1x1x!tpu.dma_semaphore, #tpu.memory_space<semaphore_mem>>
    %dma_start3A_27 = tpu.memref_squeeze %dma_start3A_26 : memref<1x1x!tpu.dma_semaphore, #tpu.memory_space<semaphore_mem>> -> memref<!tpu.dma_semaphore, #tpu.memory_space<semaphore_mem>>
    %dma_start3A_28 = arith.constant 0 : i32
    %dma_start3A_29 = arith.constant 0 : i32
    %dma_start3A_30 = tpu.memref_slice %arg5[%dma_start3A_23, %dma_start3A_28, %dma_start3A_29] : memref<8x64x4096xf32, #tpu.memory_space<vmem>> -> memref<1x32x4096xf32, #tpu.memory_space<vmem>>
    %dma_start3A_31 = tpu.memref_squeeze %dma_start3A_30 : memref<1x32x4096xf32, #tpu.memory_space<vmem>> -> memref<32x4096xf32, #tpu.memory_space<vmem>>
    %dma_start3A_32 = arith.constant 0 : i32
    %dma_start3A_33 = arith.constant 4096 : i32
    %dma_start3A_34 = tpu.memref_slice %arg0[%dma_start3A_32, %dma_start3A_33] : memref<64x32768xf32, #tpu.memory_space<any>> -> memref<32x4096xf32, #tpu.memory_space<any>>
    tpu.enqueue_dma source(%dma_start3A_34 : memref<32x4096xf32, #tpu.memory_space<any>>) target(%dma_start3A_31 : memref<32x4096xf32, #tpu.memory_space<vmem>>) target_semaphore(%dma_start3A_27 : memref<!tpu.dma_semaphore, #tpu.memory_space<semaphore_mem>>)
    %dma_start3A_35 = arith.constant 1 : i32
    %dma_start3A_36 = arith.constant 1 : i32
    %dma_start3A_37 = arith.constant 1 : i32
    %dma_start3A_38 = tpu.memref_slice %arg6[%dma_start3A_36, %dma_start3A_37] : memref<8x2x!tpu.dma_semaphore, #tpu.memory_space<semaphore_mem>> -> memref<1x1x!tpu.dma_semaphore, #tpu.memory_space<semaphore_mem>>
    %dma_start3A_39 = tpu.memref_squeeze %dma_start3A_38 : memref<1x1x!tpu.dma_semaphore, #tpu.memory_space<semaphore_mem>> -> memref<!tpu.dma_semaphore, #tpu.memory_space<semaphore_mem>>
    %dma_start3A_40 = arith.constant 32 : i32
    %dma_start3A_41 = arith.constant 0 : i32
    %dma_start3A_42 = tpu.memref_slice %arg5[%dma_start3A_35, %dma_start3A_40, %dma_start3A_41] : memref<8x64x4096xf32, #tpu.memory_space<vmem>> -> memref<1x32x4096xf32, #tpu.memory_space<vmem>>
    %dma_start3A_43 = tpu.memref_squeeze %dma_start3A_42 : memref<1x32x4096xf32, #tpu.memory_space<vmem>> -> memref<32x4096xf32, #tpu.memory_space<vmem>>
    %dma_start3A_44 = arith.constant 32 : i32
    %dma_start3A_45 = arith.constant 4096 : i32
    %dma_start3A_46 = tpu.memref_slice %arg0[%dma_start3A_44, %dma_start3A_45] : memref<64x32768xf32, #tpu.memory_space<any>> -> memref<32x4096xf32, #tpu.memory_space<any>>
    tpu.enqueue_dma source(%dma_start3A_46 : memref<32x4096xf32, #tpu.memory_space<any>>) target(%dma_start3A_43 : memref<32x4096xf32, #tpu.memory_space<vmem>>) target_semaphore(%dma_start3A_39 : memref<!tpu.dma_semaphore, #tpu.memory_space<semaphore_mem>>)
    %dma_start3A_47 = arith.constant 2 : i32
    %dma_start3A_48 = arith.constant 2 : i32
    %dma_start3A_49 = arith.constant 0 : i32
    %dma_start3A_50 = tpu.memref_slice %arg6[%dma_start3A_48, %dma_start3A_49] : memref<8x2x!tpu.dma_semaphore, #tpu.memory_space<semaphore_mem>> -> memref<1x1x!tpu.dma_semaphore, #tpu.memory_space<semaphore_mem>>
    %dma_start3A_51 = tpu.memref_squeeze %dma_start3A_50 : memref<1x1x!tpu.dma_semaphore, #tpu.memory_space<semaphore_mem>> -> memref<!tpu.dma_semaphore, #tpu.memory_space<semaphore_mem>>
    %dma_start3A_52 = arith.constant 0 : i32
    %dma_start3A_53 = arith.constant 0 : i32
    %dma_start3A_54 = tpu.memref_slice %arg5[%dma_start3A_47, %dma_start3A_52, %dma_start3A_53] : memref<8x64x4096xf32, #tpu.memory_space<vmem>> -> memref<1x32x4096xf32, #tpu.memory_space<vmem>>
    %dma_start3A_55 = tpu.memref_squeeze %dma_start3A_54 : memref<1x32x4096xf32, #tpu.memory_space<vmem>> -> memref<32x4096xf32, #tpu.memory_space<vmem>>
    %dma_start3A_56 = arith.constant 0 : i32
    %dma_start3A_57 = arith.constant 8192 : i32
    %dma_start3A_58 = tpu.memref_slice %arg0[%dma_start3A_56, %dma_start3A_57] : memref<64x32768xf32, #tpu.memory_space<any>> -> memref<32x4096xf32, #tpu.memory_space<any>>
    tpu.enqueue_dma source(%dma_start3A_58 : memref<32x4096xf32, #tpu.memory_space<any>>) target(%dma_start3A_55 : memref<32x4096xf32, #tpu.memory_space<vmem>>) target_semaphore(%dma_start3A_51 : memref<!tpu.dma_semaphore, #tpu.memory_space<semaphore_mem>>)
    %dma_start3A_59 = arith.constant 2 : i32
    %dma_start3A_60 = arith.constant 2 : i32
    %dma_start3A_61 = arith.constant 1 : i32
    %dma_start3A_62 = tpu.memref_slice %arg6[%dma_start3A_60, %dma_start3A_61] : memref<8x2x!tpu.dma_semaphore, #tpu.memory_space<semaphore_mem>> -> memref<1x1x!tpu.dma_semaphore, #tpu.memory_space<semaphore_mem>>
    %dma_start3A_63 = tpu.memref_squeeze %dma_start3A_62 : memref<1x1x!tpu.dma_semaphore, #tpu.memory_space<semaphore_mem>> -> memref<!tpu.dma_semaphore, #tpu.memory_space<semaphore_mem>>
    %dma_start3A_64 = arith.constant 32 : i32
    %dma_start3A_65 = arith.constant 0 : i32
    %dma_start3A_66 = tpu.memref_slice %arg5[%dma_start3A_59, %dma_start3A_64, %dma_start3A_65] : memref<8x64x4096xf32, #tpu.memory_space<vmem>> -> memref<1x32x4096xf32, #tpu.memory_space<vmem>>
    %dma_start3A_67 = tpu.memref_squeeze %dma_start3A_66 : memref<1x32x4096xf32, #tpu.memory_space<vmem>> -> memref<32x4096xf32, #tpu.memory_space<vmem>>
    %dma_start3A_68 = arith.constant 32 : i32
    %dma_start3A_69 = arith.constant 8192 : i32
    %dma_start3A_70 = tpu.memref_slice %arg0[%dma_start3A_68, %dma_start3A_69] : memref<64x32768xf32, #tpu.memory_space<any>> -> memref<32x4096xf32, #tpu.memory_space<any>>
    tpu.enqueue_dma source(%dma_start3A_70 : memref<32x4096xf32, #tpu.memory_space<any>>) target(%dma_start3A_67 : memref<32x4096xf32, #tpu.memory_space<vmem>>) target_semaphore(%dma_start3A_63 : memref<!tpu.dma_semaphore, #tpu.memory_space<semaphore_mem>>)
    %dma_start3A_71 = arith.constant 3 : i32
    %dma_start3A_72 = arith.constant 3 : i32
    %dma_start3A_73 = arith.constant 0 : i32
    %dma_start3A_74 = tpu.memref_slice %arg6[%dma_start3A_72, %dma_start3A_73] : memref<8x2x!tpu.dma_semaphore, #tpu.memory_space<semaphore_mem>> -> memref<1x1x!tpu.dma_semaphore, #tpu.memory_space<semaphore_mem>>
    %dma_start3A_75 = tpu.memref_squeeze %dma_start3A_74 : memref<1x1x!tpu.dma_semaphore, #tpu.memory_space<semaphore_mem>> -> memref<!tpu.dma_semaphore, #tpu.memory_space<semaphore_mem>>
    %dma_start3A_76 = arith.constant 0 : i32
    %dma_start3A_77 = arith.constant 0 : i32
    %dma_start3A_78 = tpu.memref_slice %arg5[%dma_start3A_71, %dma_start3A_76, %dma_start3A_77] : memref<8x64x4096xf32, #tpu.memory_space<vmem>> -> memref<1x32x4096xf32, #tpu.memory_space<vmem>>
    %dma_start3A_79 = tpu.memref_squeeze %dma_start3A_78 : memref<1x32x4096xf32, #tpu.memory_space<vmem>> -> memref<32x4096xf32, #tpu.memory_space<vmem>>
    %dma_start3A_80 = arith.constant 0 : i32
    %dma_start3A_81 = arith.constant 12288 : i32
    %dma_start3A_82 = tpu.memref_slice %arg0[%dma_start3A_80, %dma_start3A_81] : memref<64x32768xf32, #tpu.memory_space<any>> -> memref<32x4096xf32, #tpu.memory_space<any>>
    tpu.enqueue_dma source(%dma_start3A_82 : memref<32x4096xf32, #tpu.memory_space<any>>) target(%dma_start3A_79 : memref<32x4096xf32, #tpu.memory_space<vmem>>) target_semaphore(%dma_start3A_75 : memref<!tpu.dma_semaphore, #tpu.memory_space<semaphore_mem>>)
    %dma_start3A_83 = arith.constant 3 : i32
    %dma_start3A_84 = arith.constant 3 : i32
    %dma_start3A_85 = arith.constant 1 : i32
    %dma_start3A_86 = tpu.memref_slice %arg6[%dma_start3A_84, %dma_start3A_85] : memref<8x2x!tpu.dma_semaphore, #tpu.memory_space<semaphore_mem>> -> memref<1x1x!tpu.dma_semaphore, #tpu.memory_space<semaphore_mem>>
    %dma_start3A_87 = tpu.memref_squeeze %dma_start3A_86 : memref<1x1x!tpu.dma_semaphore, #tpu.memory_space<semaphore_mem>> -> memref<!tpu.dma_semaphore, #tpu.memory_space<semaphore_mem>>
    %dma_start3A_88 = arith.constant 32 : i32
    %dma_start3A_89 = arith.constant 0 : i32
    %dma_start3A_90 = tpu.memref_slice %arg5[%dma_start3A_83, %dma_start3A_88, %dma_start3A_89] : memref<8x64x4096xf32, #tpu.memory_space<vmem>> -> memref<1x32x4096xf32, #tpu.memory_space<vmem>>
    %dma_start3A_91 = tpu.memref_squeeze %dma_start3A_90 : memref<1x32x4096xf32, #tpu.memory_space<vmem>> -> memref<32x4096xf32, #tpu.memory_space<vmem>>
    %dma_start3A_92 = arith.constant 32 : i32
    %dma_start3A_93 = arith.constant 12288 : i32
    %dma_start3A_94 = tpu.memref_slice %arg0[%dma_start3A_92, %dma_start3A_93] : memref<64x32768xf32, #tpu.memory_space<any>> -> memref<32x4096xf32, #tpu.memory_space<any>>
    tpu.enqueue_dma source(%dma_start3A_94 : memref<32x4096xf32, #tpu.memory_space<any>>) target(%dma_start3A_91 : memref<32x4096xf32, #tpu.memory_space<vmem>>) target_semaphore(%dma_start3A_87 : memref<!tpu.dma_semaphore, #tpu.memory_space<semaphore_mem>>)
    %dma_start3A_95 = arith.constant 4 : i32
    %dma_start3A_96 = arith.constant 4 : i32
    %dma_start3A_97 = arith.constant 0 : i32
    %dma_start3A_98 = tpu.memref_slice %arg6[%dma_start3A_96, %dma_start3A_97] : memref<8x2x!tpu.dma_semaphore, #tpu.memory_space<semaphore_mem>> -> memref<1x1x!tpu.dma_semaphore, #tpu.memory_space<semaphore_mem>>
    %dma_start3A_99 = tpu.memref_squeeze %dma_start3A_98 : memref<1x1x!tpu.dma_semaphore, #tpu.memory_space<semaphore_mem>> -> memref<!tpu.dma_semaphore, #tpu.memory_space<semaphore_mem>>
    %dma_start3A_100 = arith.constant 0 : i32
    %dma_start3A_101 = arith.constant 0 : i32
    %dma_start3A_102 = tpu.memref_slice %arg5[%dma_start3A_95, %dma_start3A_100, %dma_start3A_101] : memref<8x64x4096xf32, #tpu.memory_space<vmem>> -> memref<1x32x4096xf32, #tpu.memory_space<vmem>>
    %dma_start3A_103 = tpu.memref_squeeze %dma_start3A_102 : memref<1x32x4096xf32, #tpu.memory_space<vmem>> -> memref<32x4096xf32, #tpu.memory_space<vmem>>
    %dma_start3A_104 = arith.constant 0 : i32
    %dma_start3A_105 = arith.constant 16384 : i32
    %dma_start3A_106 = tpu.memref_slice %arg0[%dma_start3A_104, %dma_start3A_105] : memref<64x32768xf32, #tpu.memory_space<any>> -> memref<32x4096xf32, #tpu.memory_space<any>>
    tpu.enqueue_dma source(%dma_start3A_106 : memref<32x4096xf32, #tpu.memory_space<any>>) target(%dma_start3A_103 : memref<32x4096xf32, #tpu.memory_space<vmem>>) target_semaphore(%dma_start3A_99 : memref<!tpu.dma_semaphore, #tpu.memory_space<semaphore_mem>>)
    %dma_start3A_107 = arith.constant 4 : i32
    %dma_start3A_108 = arith.constant 4 : i32
    %dma_start3A_109 = arith.constant 1 : i32
    %dma_start3A_110 = tpu.memref_slice %arg6[%dma_start3A_108, %dma_start3A_109] : memref<8x2x!tpu.dma_semaphore, #tpu.memory_space<semaphore_mem>> -> memref<1x1x!tpu.dma_semaphore, #tpu.memory_space<semaphore_mem>>
    %dma_start3A_111 = tpu.memref_squeeze %dma_start3A_110 : memref<1x1x!tpu.dma_semaphore, #tpu.memory_space<semaphore_mem>> -> memref<!tpu.dma_semaphore, #tpu.memory_space<semaphore_mem>>
    %dma_start3A_112 = arith.constant 32 : i32
    %dma_start3A_113 = arith.constant 0 : i32
    %dma_start3A_114 = tpu.memref_slice %arg5[%dma_start3A_107, %dma_start3A_112, %dma_start3A_113] : memref<8x64x4096xf32, #tpu.memory_space<vmem>> -> memref<1x32x4096xf32, #tpu.memory_space<vmem>>
    %dma_start3A_115 = tpu.memref_squeeze %dma_start3A_114 : memref<1x32x4096xf32, #tpu.memory_space<vmem>> -> memref<32x4096xf32, #tpu.memory_space<vmem>>
    %dma_start3A_116 = arith.constant 32 : i32
    %dma_start3A_117 = arith.constant 16384 : i32
    %dma_start3A_118 = tpu.memref_slice %arg0[%dma_start3A_116, %dma_start3A_117] : memref<64x32768xf32, #tpu.memory_space<any>> -> memref<32x4096xf32, #tpu.memory_space<any>>
    tpu.enqueue_dma source(%dma_start3A_118 : memref<32x4096xf32, #tpu.memory_space<any>>) target(%dma_start3A_115 : memref<32x4096xf32, #tpu.memory_space<vmem>>) target_semaphore(%dma_start3A_111 : memref<!tpu.dma_semaphore, #tpu.memory_space<semaphore_mem>>)
    %dma_start3A_119 = arith.constant 5 : i32
    %dma_start3A_120 = arith.constant 5 : i32
    %dma_start3A_121 = arith.constant 0 : i32
    %dma_start3A_122 = tpu.memref_slice %arg6[%dma_start3A_120, %dma_start3A_121] : memref<8x2x!tpu.dma_semaphore, #tpu.memory_space<semaphore_mem>> -> memref<1x1x!tpu.dma_semaphore, #tpu.memory_space<semaphore_mem>>
    %dma_start3A_123 = tpu.memref_squeeze %dma_start3A_122 : memref<1x1x!tpu.dma_semaphore, #tpu.memory_space<semaphore_mem>> -> memref<!tpu.dma_semaphore, #tpu.memory_space<semaphore_mem>>
    %dma_start3A_124 = arith.constant 0 : i32
    %dma_start3A_125 = arith.constant 0 : i32
    %dma_start3A_126 = tpu.memref_slice %arg5[%dma_start3A_119, %dma_start3A_124, %dma_start3A_125] : memref<8x64x4096xf32, #tpu.memory_space<vmem>> -> memref<1x32x4096xf32, #tpu.memory_space<vmem>>
    %dma_start3A_127 = tpu.memref_squeeze %dma_start3A_126 : memref<1x32x4096xf32, #tpu.memory_space<vmem>> -> memref<32x4096xf32, #tpu.memory_space<vmem>>
    %dma_start3A_128 = arith.constant 0 : i32
    %dma_start3A_129 = arith.constant 20480 : i32
    %dma_start3A_130 = tpu.memref_slice %arg0[%dma_start3A_128, %dma_start3A_129] : memref<64x32768xf32, #tpu.memory_space<any>> -> memref<32x4096xf32, #tpu.memory_space<any>>
    tpu.enqueue_dma source(%dma_start3A_130 : memref<32x4096xf32, #tpu.memory_space<any>>) target(%dma_start3A_127 : memref<32x4096xf32, #tpu.memory_space<vmem>>) target_semaphore(%dma_start3A_123 : memref<!tpu.dma_semaphore, #tpu.memory_space<semaphore_mem>>)
    %dma_start3A_131 = arith.constant 5 : i32
    %dma_start3A_132 = arith.constant 5 : i32
    %dma_start3A_133 = arith.constant 1 : i32
    %dma_start3A_134 = tpu.memref_slice %arg6[%dma_start3A_132, %dma_start3A_133] : memref<8x2x!tpu.dma_semaphore, #tpu.memory_space<semaphore_mem>> -> memref<1x1x!tpu.dma_semaphore, #tpu.memory_space<semaphore_mem>>
    %dma_start3A_135 = tpu.memref_squeeze %dma_start3A_134 : memref<1x1x!tpu.dma_semaphore, #tpu.memory_space<semaphore_mem>> -> memref<!tpu.dma_semaphore, #tpu.memory_space<semaphore_mem>>
    %dma_start3A_136 = arith.constant 32 : i32
    %dma_start3A_137 = arith.constant 0 : i32
    %dma_start3A_138 = tpu.memref_slice %arg5[%dma_start3A_131, %dma_start3A_136, %dma_start3A_137] : memref<8x64x4096xf32, #tpu.memory_space<vmem>> -> memref<1x32x4096xf32, #tpu.memory_space<vmem>>
    %dma_start3A_139 = tpu.memref_squeeze %dma_start3A_138 : memref<1x32x4096xf32, #tpu.memory_space<vmem>> -> memref<32x4096xf32, #tpu.memory_space<vmem>>
    %dma_start3A_140 = arith.constant 32 : i32
    %dma_start3A_141 = arith.constant 20480 : i32
    %dma_start3A_142 = tpu.memref_slice %arg0[%dma_start3A_140, %dma_start3A_141] : memref<64x32768xf32, #tpu.memory_space<any>> -> memref<32x4096xf32, #tpu.memory_space<any>>
    tpu.enqueue_dma source(%dma_start3A_142 : memref<32x4096xf32, #tpu.memory_space<any>>) target(%dma_start3A_139 : memref<32x4096xf32, #tpu.memory_space<vmem>>) target_semaphore(%dma_start3A_135 : memref<!tpu.dma_semaphore, #tpu.memory_space<semaphore_mem>>)
    %dma_start3A_143 = arith.constant 6 : i32
    %dma_start3A_144 = arith.constant 6 : i32
    %dma_start3A_145 = arith.constant 0 : i32
    %dma_start3A_146 = tpu.memref_slice %arg6[%dma_start3A_144, %dma_start3A_145] : memref<8x2x!tpu.dma_semaphore, #tpu.memory_space<semaphore_mem>> -> memref<1x1x!tpu.dma_semaphore, #tpu.memory_space<semaphore_mem>>
    %dma_start3A_147 = tpu.memref_squeeze %dma_start3A_146 : memref<1x1x!tpu.dma_semaphore, #tpu.memory_space<semaphore_mem>> -> memref<!tpu.dma_semaphore, #tpu.memory_space<semaphore_mem>>
    %dma_start3A_148 = arith.constant 0 : i32
    %dma_start3A_149 = arith.constant 0 : i32
    %dma_start3A_150 = tpu.memref_slice %arg5[%dma_start3A_143, %dma_start3A_148, %dma_start3A_149] : memref<8x64x4096xf32, #tpu.memory_space<vmem>> -> memref<1x32x4096xf32, #tpu.memory_space<vmem>>
    %dma_start3A_151 = tpu.memref_squeeze %dma_start3A_150 : memref<1x32x4096xf32, #tpu.memory_space<vmem>> -> memref<32x4096xf32, #tpu.memory_space<vmem>>
    %dma_start3A_152 = arith.constant 0 : i32
    %dma_start3A_153 = arith.constant 24576 : i32
    %dma_start3A_154 = tpu.memref_slice %arg0[%dma_start3A_152, %dma_start3A_153] : memref<64x32768xf32, #tpu.memory_space<any>> -> memref<32x4096xf32, #tpu.memory_space<any>>
    tpu.enqueue_dma source(%dma_start3A_154 : memref<32x4096xf32, #tpu.memory_space<any>>) target(%dma_start3A_151 : memref<32x4096xf32, #tpu.memory_space<vmem>>) target_semaphore(%dma_start3A_147 : memref<!tpu.dma_semaphore, #tpu.memory_space<semaphore_mem>>)
    %dma_start3A_155 = arith.constant 6 : i32
    %dma_start3A_156 = arith.constant 6 : i32
    %dma_start3A_157 = arith.constant 1 : i32
    %dma_start3A_158 = tpu.memref_slice %arg6[%dma_start3A_156, %dma_start3A_157] : memref<8x2x!tpu.dma_semaphore, #tpu.memory_space<semaphore_mem>> -> memref<1x1x!tpu.dma_semaphore, #tpu.memory_space<semaphore_mem>>
    %dma_start3A_159 = tpu.memref_squeeze %dma_start3A_158 : memref<1x1x!tpu.dma_semaphore, #tpu.memory_space<semaphore_mem>> -> memref<!tpu.dma_semaphore, #tpu.memory_space<semaphore_mem>>
    %dma_start3A_160 = arith.constant 32 : i32
    %dma_start3A_161 = arith.constant 0 : i32
    %dma_start3A_162 = tpu.memref_slice %arg5[%dma_start3A_155, %dma_start3A_160, %dma_start3A_161] : memref<8x64x4096xf32, #tpu.memory_space<vmem>> -> memref<1x32x4096xf32, #tpu.memory_space<vmem>>
    %dma_start3A_163 = tpu.memref_squeeze %dma_start3A_162 : memref<1x32x4096xf32, #tpu.memory_space<vmem>> -> memref<32x4096xf32, #tpu.memory_space<vmem>>
    %dma_start3A_164 = arith.constant 32 : i32
    %dma_start3A_165 = arith.constant 24576 : i32
    %dma_start3A_166 = tpu.memref_slice %arg0[%dma_start3A_164, %dma_start3A_165] : memref<64x32768xf32, #tpu.memory_space<any>> -> memref<32x4096xf32, #tpu.memory_space<any>>
    tpu.enqueue_dma source(%dma_start3A_166 : memref<32x4096xf32, #tpu.memory_space<any>>) target(%dma_start3A_163 : memref<32x4096xf32, #tpu.memory_space<vmem>>) target_semaphore(%dma_start3A_159 : memref<!tpu.dma_semaphore, #tpu.memory_space<semaphore_mem>>)
    %dma_start3A_167 = arith.constant 7 : i32
    %dma_start3A_168 = arith.constant 7 : i32
    %dma_start3A_169 = arith.constant 0 : i32
    %dma_start3A_170 = tpu.memref_slice %arg6[%dma_start3A_168, %dma_start3A_169] : memref<8x2x!tpu.dma_semaphore, #tpu.memory_space<semaphore_mem>> -> memref<1x1x!tpu.dma_semaphore, #tpu.memory_space<semaphore_mem>>
    %dma_start3A_171 = tpu.memref_squeeze %dma_start3A_170 : memref<1x1x!tpu.dma_semaphore, #tpu.memory_space<semaphore_mem>> -> memref<!tpu.dma_semaphore, #tpu.memory_space<semaphore_mem>>
    %dma_start3A_172 = arith.constant 0 : i32
    %dma_start3A_173 = arith.constant 0 : i32
    %dma_start3A_174 = tpu.memref_slice %arg5[%dma_start3A_167, %dma_start3A_172, %dma_start3A_173] : memref<8x64x4096xf32, #tpu.memory_space<vmem>> -> memref<1x32x4096xf32, #tpu.memory_space<vmem>>
    %dma_start3A_175 = tpu.memref_squeeze %dma_start3A_174 : memref<1x32x4096xf32, #tpu.memory_space<vmem>> -> memref<32x4096xf32, #tpu.memory_space<vmem>>
    %dma_start3A_176 = arith.constant 0 : i32
    %dma_start3A_177 = arith.constant 28672 : i32
    %dma_start3A_178 = tpu.memref_slice %arg0[%dma_start3A_176, %dma_start3A_177] : memref<64x32768xf32, #tpu.memory_space<any>> -> memref<32x4096xf32, #tpu.memory_space<any>>
    tpu.enqueue_dma source(%dma_start3A_178 : memref<32x4096xf32, #tpu.memory_space<any>>) target(%dma_start3A_175 : memref<32x4096xf32, #tpu.memory_space<vmem>>) target_semaphore(%dma_start3A_171 : memref<!tpu.dma_semaphore, #tpu.memory_space<semaphore_mem>>)
    %dma_start3A_179 = arith.constant 7 : i32
    %dma_start3A_180 = arith.constant 7 : i32
    %dma_start3A_181 = arith.constant 1 : i32
    %dma_start3A_182 = tpu.memref_slice %arg6[%dma_start3A_180, %dma_start3A_181] : memref<8x2x!tpu.dma_semaphore, #tpu.memory_space<semaphore_mem>> -> memref<1x1x!tpu.dma_semaphore, #tpu.memory_space<semaphore_mem>>
    %dma_start3A_183 = tpu.memref_squeeze %dma_start3A_182 : memref<1x1x!tpu.dma_semaphore, #tpu.memory_space<semaphore_mem>> -> memref<!tpu.dma_semaphore, #tpu.memory_space<semaphore_mem>>
    %dma_start3A_184 = arith.constant 32 : i32
    %dma_start3A_185 = arith.constant 0 : i32
    %dma_start3A_186 = tpu.memref_slice %arg5[%dma_start3A_179, %dma_start3A_184, %dma_start3A_185] : memref<8x64x4096xf32, #tpu.memory_space<vmem>> -> memref<1x32x4096xf32, #tpu.memory_space<vmem>>
    %dma_start3A_187 = tpu.memref_squeeze %dma_start3A_186 : memref<1x32x4096xf32, #tpu.memory_space<vmem>> -> memref<32x4096xf32, #tpu.memory_space<vmem>>
    %dma_start3A_188 = arith.constant 32 : i32
    %dma_start3A_189 = arith.constant 28672 : i32
    %dma_start3A_190 = tpu.memref_slice %arg0[%dma_start3A_188, %dma_start3A_189] : memref<64x32768xf32, #tpu.memory_space<any>> -> memref<32x4096xf32, #tpu.memory_space<any>>
    tpu.enqueue_dma source(%dma_start3A_190 : memref<32x4096xf32, #tpu.memory_space<any>>) target(%dma_start3A_187 : memref<32x4096xf32, #tpu.memory_space<vmem>>) target_semaphore(%dma_start3A_183 : memref<!tpu.dma_semaphore, #tpu.memory_space<semaphore_mem>>)
    %broadcast_in_dim3A = arith.constant 0.000000e+00 : f32
    %broadcast_in_dim3A_191 = vector.broadcast %broadcast_in_dim3A : f32 to vector<64x16xf32>
    %dma_wait3A = arith.constant 0 : i32
    %dma_wait3A_192 = arith.constant 0 : i32
    %dma_wait3A_193 = arith.constant 0 : i32
    %dma_wait3A_194 = tpu.memref_slice %arg6[%dma_wait3A_192, %dma_wait3A_193] : memref<8x2x!tpu.dma_semaphore, #tpu.memory_space<semaphore_mem>> -> memref<1x1x!tpu.dma_semaphore, #tpu.memory_space<semaphore_mem>>
    %dma_wait3A_195 = tpu.memref_squeeze %dma_wait3A_194 : memref<1x1x!tpu.dma_semaphore, #tpu.memory_space<semaphore_mem>> -> memref<!tpu.dma_semaphore, #tpu.memory_space<semaphore_mem>>
    %dma_wait3A_196 = arith.constant 0 : i32
    %dma_wait3A_197 = arith.constant 0 : i32
    %dma_wait3A_198 = tpu.memref_slice %arg5[%dma_wait3A, %dma_wait3A_196, %dma_wait3A_197] : memref<8x64x4096xf32, #tpu.memory_space<vmem>> -> memref<1x32x4096xf32, #tpu.memory_space<vmem>>
    %dma_wait3A_199 = tpu.memref_squeeze %dma_wait3A_198 : memref<1x32x4096xf32, #tpu.memory_space<vmem>> -> memref<32x4096xf32, #tpu.memory_space<vmem>>
    %dma_wait3A_200 = arith.constant 0 : i32
    %dma_wait3A_201 = arith.constant 0 : i32
    %dma_wait3A_202 = tpu.memref_slice %arg0[%dma_wait3A_200, %dma_wait3A_201] : memref<64x32768xf32, #tpu.memory_space<any>> -> memref<32x4096xf32, #tpu.memory_space<any>>
    tpu.wait_dma2 semaphore(%dma_wait3A_195 : memref<!tpu.dma_semaphore, #tpu.memory_space<semaphore_mem>>) src(%dma_wait3A_202 : memref<32x4096xf32, #tpu.memory_space<any>>) dst(%dma_wait3A_199 : memref<32x4096xf32, #tpu.memory_space<vmem>>)
    %dma_wait3A_203 = arith.constant 0 : i32
    %dma_wait3A_204 = arith.constant 0 : i32
    %dma_wait3A_205 = arith.constant 1 : i32
    %dma_wait3A_206 = tpu.memref_slice %arg6[%dma_wait3A_204, %dma_wait3A_205] : memref<8x2x!tpu.dma_semaphore, #tpu.memory_space<semaphore_mem>> -> memref<1x1x!tpu.dma_semaphore, #tpu.memory_space<semaphore_mem>>
    %dma_wait3A_207 = tpu.memref_squeeze %dma_wait3A_206 : memref<1x1x!tpu.dma_semaphore, #tpu.memory_space<semaphore_mem>> -> memref<!tpu.dma_semaphore, #tpu.memory_space<semaphore_mem>>
    %dma_wait3A_208 = arith.constant 32 : i32
    %dma_wait3A_209 = arith.constant 0 : i32
    %dma_wait3A_210 = tpu.memref_slice %arg5[%dma_wait3A_203, %dma_wait3A_208, %dma_wait3A_209] : memref<8x64x4096xf32, #tpu.memory_space<vmem>> -> memref<1x32x4096xf32, #tpu.memory_space<vmem>>
    %dma_wait3A_211 = tpu.memref_squeeze %dma_wait3A_210 : memref<1x32x4096xf32, #tpu.memory_space<vmem>> -> memref<32x4096xf32, #tpu.memory_space<vmem>>
    %dma_wait3A_212 = arith.constant 32 : i32
    %dma_wait3A_213 = arith.constant 0 : i32
    %dma_wait3A_214 = tpu.memref_slice %arg0[%dma_wait3A_212, %dma_wait3A_213] : memref<64x32768xf32, #tpu.memory_space<any>> -> memref<32x4096xf32, #tpu.memory_space<any>>
    tpu.wait_dma2 semaphore(%dma_wait3A_207 : memref<!tpu.dma_semaphore, #tpu.memory_space<semaphore_mem>>) src(%dma_wait3A_214 : memref<32x4096xf32, #tpu.memory_space<any>>) dst(%dma_wait3A_211 : memref<32x4096xf32, #tpu.memory_space<vmem>>)
    %get3A = arith.constant 0 : index
    %get3A_215 = arith.constant 0 : index
    %get3A_216 = arith.constant 0 : index
    %get3A_217 = vector.load %arg5[%get3A, %get3A_215, %get3A_216] : memref<8x64x4096xf32, #tpu.memory_space<vmem>>, vector<1x64x4096xf32>
    %get3A_218 = vector.shape_cast %get3A_217 : vector<1x64x4096xf32> to vector<64x4096xf32>
    %mul3A = arith.mulf %get3A_218, %get3A_218 : vector<64x4096xf32>
    %get3A_219 = arith.constant 0 : index
    %get3A_220 = arith.constant 0 : index
    %get3A_221 = vector.load %arg3[%get3A_219, %get3A_220] : memref<4096x16xf32, #tpu.memory_space<vmem>>, vector<4096x16xf32>
    %dot_general3A = arith.constant dense<0.000000e+00> : vector<64x16xf32>
    %dot_general3A_222 = tpu.matmul %mul3A, %get3A_221, %dot_general3A {dimension_numbers = #tpu.dot_dimension_numbers<[1], [0], [0], [1], [0, 0, 1, 1], [], []>, transpose_lhs_hint = false} : vector<64x4096xf32>, vector<4096x16xf32>, vector<64x16xf32> -> vector<64x16xf32>
    %get3A_223 = arith.constant 0 : index
    %get3A_224 = arith.constant 0 : index
    %get3A_225 = arith.constant 0 : index
    %get3A_226 = vector.load %arg1[%get3A_223, %get3A_224, %get3A_225] : memref<8x64x16xf32, #tpu.memory_space<vmem>>, vector<1x64x16xf32>
    %get3A_227 = vector.shape_cast %get3A_226 : vector<1x64x16xf32> to vector<64x16xf32>
    %mul3A_228 = arith.mulf %dot_general3A_222, %get3A_227 : vector<64x16xf32>
    %mul3A_229 = arith.constant 3.906250e-03 : f32
    %mul3A_230 = vector.broadcast %mul3A_229 : f32 to vector<64x16xf32>
    %mul3A_231 = arith.mulf %mul3A_228, %mul3A_230 : vector<64x16xf32>
    %get3A_232 = arith.constant 0 : index
    %get3A_233 = arith.constant 0 : index
    %get3A_234 = vector.load %arg2[%get3A_232, %get3A_233] : memref<128x16xf32, #tpu.memory_space<vmem>>, vector<16x16xf32>
    %dot_general3A_235 = arith.constant dense<0.000000e+00> : vector<64x16xf32>
    %dot_general3A_236 = tpu.matmul %mul3A_231, %get3A_234, %dot_general3A_235 {dimension_numbers = #tpu.dot_dimension_numbers<[1], [0], [0], [1], [0, 0, 1, 1], [], []>, transpose_lhs_hint = false} : vector<64x16xf32>, vector<16x16xf32>, vector<64x16xf32> -> vector<64x16xf32>
    %add3A = arith.addf %broadcast_in_dim3A_191, %dot_general3A_236 : vector<64x16xf32>
    %dma_wait3A_237 = arith.constant 1 : i32
    %dma_wait3A_238 = arith.constant 1 : i32
    %dma_wait3A_239 = arith.constant 0 : i32
    %dma_wait3A_240 = tpu.memref_slice %arg6[%dma_wait3A_238, %dma_wait3A_239] : memref<8x2x!tpu.dma_semaphore, #tpu.memory_space<semaphore_mem>> -> memref<1x1x!tpu.dma_semaphore, #tpu.memory_space<semaphore_mem>>
    %dma_wait3A_241 = tpu.memref_squeeze %dma_wait3A_240 : memref<1x1x!tpu.dma_semaphore, #tpu.memory_space<semaphore_mem>> -> memref<!tpu.dma_semaphore, #tpu.memory_space<semaphore_mem>>
    %dma_wait3A_242 = arith.constant 0 : i32
    %dma_wait3A_243 = arith.constant 0 : i32
    %dma_wait3A_244 = tpu.memref_slice %arg5[%dma_wait3A_237, %dma_wait3A_242, %dma_wait3A_243] : memref<8x64x4096xf32, #tpu.memory_space<vmem>> -> memref<1x32x4096xf32, #tpu.memory_space<vmem>>
    %dma_wait3A_245 = tpu.memref_squeeze %dma_wait3A_244 : memref<1x32x4096xf32, #tpu.memory_space<vmem>> -> memref<32x4096xf32, #tpu.memory_space<vmem>>
    %dma_wait3A_246 = arith.constant 0 : i32
    %dma_wait3A_247 = arith.constant 4096 : i32
    %dma_wait3A_248 = tpu.memref_slice %arg0[%dma_wait3A_246, %dma_wait3A_247] : memref<64x32768xf32, #tpu.memory_space<any>> -> memref<32x4096xf32, #tpu.memory_space<any>>
    tpu.wait_dma2 semaphore(%dma_wait3A_241 : memref<!tpu.dma_semaphore, #tpu.memory_space<semaphore_mem>>) src(%dma_wait3A_248 : memref<32x4096xf32, #tpu.memory_space<any>>) dst(%dma_wait3A_245 : memref<32x4096xf32, #tpu.memory_space<vmem>>)
    %dma_wait3A_249 = arith.constant 1 : i32
    %dma_wait3A_250 = arith.constant 1 : i32
    %dma_wait3A_251 = arith.constant 1 : i32
    %dma_wait3A_252 = tpu.memref_slice %arg6[%dma_wait3A_250, %dma_wait3A_251] : memref<8x2x!tpu.dma_semaphore, #tpu.memory_space<semaphore_mem>> -> memref<1x1x!tpu.dma_semaphore, #tpu.memory_space<semaphore_mem>>
    %dma_wait3A_253 = tpu.memref_squeeze %dma_wait3A_252 : memref<1x1x!tpu.dma_semaphore, #tpu.memory_space<semaphore_mem>> -> memref<!tpu.dma_semaphore, #tpu.memory_space<semaphore_mem>>
    %dma_wait3A_254 = arith.constant 32 : i32
    %dma_wait3A_255 = arith.constant 0 : i32
    %dma_wait3A_256 = tpu.memref_slice %arg5[%dma_wait3A_249, %dma_wait3A_254, %dma_wait3A_255] : memref<8x64x4096xf32, #tpu.memory_space<vmem>> -> memref<1x32x4096xf32, #tpu.memory_space<vmem>>
    %dma_wait3A_257 = tpu.memref_squeeze %dma_wait3A_256 : memref<1x32x4096xf32, #tpu.memory_space<vmem>> -> memref<32x4096xf32, #tpu.memory_space<vmem>>
    %dma_wait3A_258 = arith.constant 32 : i32
    %dma_wait3A_259 = arith.constant 4096 : i32
    %dma_wait3A_260 = tpu.memref_slice %arg0[%dma_wait3A_258, %dma_wait3A_259] : memref<64x32768xf32, #tpu.memory_space<any>> -> memref<32x4096xf32, #tpu.memory_space<any>>
    tpu.wait_dma2 semaphore(%dma_wait3A_253 : memref<!tpu.dma_semaphore, #tpu.memory_space<semaphore_mem>>) src(%dma_wait3A_260 : memref<32x4096xf32, #tpu.memory_space<any>>) dst(%dma_wait3A_257 : memref<32x4096xf32, #tpu.memory_space<vmem>>)
    %get3A_261 = arith.constant 1 : index
    %get3A_262 = arith.constant 0 : index
    %get3A_263 = arith.constant 0 : index
    %get3A_264 = vector.load %arg5[%get3A_261, %get3A_262, %get3A_263] : memref<8x64x4096xf32, #tpu.memory_space<vmem>>, vector<1x64x4096xf32>
    %get3A_265 = vector.shape_cast %get3A_264 : vector<1x64x4096xf32> to vector<64x4096xf32>
    %mul3A_266 = arith.mulf %get3A_265, %get3A_265 : vector<64x4096xf32>
    %get3A_267 = arith.constant 0 : index
    %get3A_268 = arith.constant 0 : index
    %get3A_269 = vector.load %arg3[%get3A_267, %get3A_268] : memref<4096x16xf32, #tpu.memory_space<vmem>>, vector<4096x16xf32>
    %dot_general3A_270 = arith.constant dense<0.000000e+00> : vector<64x16xf32>
    %dot_general3A_271 = tpu.matmul %mul3A_266, %get3A_269, %dot_general3A_270 {dimension_numbers = #tpu.dot_dimension_numbers<[1], [0], [0], [1], [0, 0, 1, 1], [], []>, transpose_lhs_hint = false} : vector<64x4096xf32>, vector<4096x16xf32>, vector<64x16xf32> -> vector<64x16xf32>
    %get3A_272 = arith.constant 1 : index
    %get3A_273 = arith.constant 0 : index
    %get3A_274 = arith.constant 0 : index
    %get3A_275 = vector.load %arg1[%get3A_272, %get3A_273, %get3A_274] : memref<8x64x16xf32, #tpu.memory_space<vmem>>, vector<1x64x16xf32>
    %get3A_276 = vector.shape_cast %get3A_275 : vector<1x64x16xf32> to vector<64x16xf32>
    %mul3A_277 = arith.mulf %dot_general3A_271, %get3A_276 : vector<64x16xf32>
    %mul3A_278 = arith.constant 3.906250e-03 : f32
    %mul3A_279 = vector.broadcast %mul3A_278 : f32 to vector<64x16xf32>
    %mul3A_280 = arith.mulf %mul3A_277, %mul3A_279 : vector<64x16xf32>
    %get3A_281 = arith.constant 16 : index
    %get3A_282 = arith.constant 0 : index
    %get3A_283 = vector.load %arg2[%get3A_281, %get3A_282] : memref<128x16xf32, #tpu.memory_space<vmem>>, vector<16x16xf32>
    %dot_general3A_284 = arith.constant dense<0.000000e+00> : vector<64x16xf32>
    %dot_general3A_285 = tpu.matmul %mul3A_280, %get3A_283, %dot_general3A_284 {dimension_numbers = #tpu.dot_dimension_numbers<[1], [0], [0], [1], [0, 0, 1, 1], [], []>, transpose_lhs_hint = false} : vector<64x16xf32>, vector<16x16xf32>, vector<64x16xf32> -> vector<64x16xf32>
    %add3A_286 = arith.addf %add3A, %dot_general3A_285 : vector<64x16xf32>
    %dma_wait3A_287 = arith.constant 2 : i32
    %dma_wait3A_288 = arith.constant 2 : i32
    %dma_wait3A_289 = arith.constant 0 : i32
    %dma_wait3A_290 = tpu.memref_slice %arg6[%dma_wait3A_288, %dma_wait3A_289] : memref<8x2x!tpu.dma_semaphore, #tpu.memory_space<semaphore_mem>> -> memref<1x1x!tpu.dma_semaphore, #tpu.memory_space<semaphore_mem>>
    %dma_wait3A_291 = tpu.memref_squeeze %dma_wait3A_290 : memref<1x1x!tpu.dma_semaphore, #tpu.memory_space<semaphore_mem>> -> memref<!tpu.dma_semaphore, #tpu.memory_space<semaphore_mem>>
    %dma_wait3A_292 = arith.constant 0 : i32
    %dma_wait3A_293 = arith.constant 0 : i32
    %dma_wait3A_294 = tpu.memref_slice %arg5[%dma_wait3A_287, %dma_wait3A_292, %dma_wait3A_293] : memref<8x64x4096xf32, #tpu.memory_space<vmem>> -> memref<1x32x4096xf32, #tpu.memory_space<vmem>>
    %dma_wait3A_295 = tpu.memref_squeeze %dma_wait3A_294 : memref<1x32x4096xf32, #tpu.memory_space<vmem>> -> memref<32x4096xf32, #tpu.memory_space<vmem>>
    %dma_wait3A_296 = arith.constant 0 : i32
    %dma_wait3A_297 = arith.constant 8192 : i32
    %dma_wait3A_298 = tpu.memref_slice %arg0[%dma_wait3A_296, %dma_wait3A_297] : memref<64x32768xf32, #tpu.memory_space<any>> -> memref<32x4096xf32, #tpu.memory_space<any>>
    tpu.wait_dma2 semaphore(%dma_wait3A_291 : memref<!tpu.dma_semaphore, #tpu.memory_space<semaphore_mem>>) src(%dma_wait3A_298 : memref<32x4096xf32, #tpu.memory_space<any>>) dst(%dma_wait3A_295 : memref<32x4096xf32, #tpu.memory_space<vmem>>)
    %dma_wait3A_299 = arith.constant 2 : i32
    %dma_wait3A_300 = arith.constant 2 : i32
    %dma_wait3A_301 = arith.constant 1 : i32
    %dma_wait3A_302 = tpu.memref_slice %arg6[%dma_wait3A_300, %dma_wait3A_301] : memref<8x2x!tpu.dma_semaphore, #tpu.memory_space<semaphore_mem>> -> memref<1x1x!tpu.dma_semaphore, #tpu.memory_space<semaphore_mem>>
    %dma_wait3A_303 = tpu.memref_squeeze %dma_wait3A_302 : memref<1x1x!tpu.dma_semaphore, #tpu.memory_space<semaphore_mem>> -> memref<!tpu.dma_semaphore, #tpu.memory_space<semaphore_mem>>
    %dma_wait3A_304 = arith.constant 32 : i32
    %dma_wait3A_305 = arith.constant 0 : i32
    %dma_wait3A_306 = tpu.memref_slice %arg5[%dma_wait3A_299, %dma_wait3A_304, %dma_wait3A_305] : memref<8x64x4096xf32, #tpu.memory_space<vmem>> -> memref<1x32x4096xf32, #tpu.memory_space<vmem>>
    %dma_wait3A_307 = tpu.memref_squeeze %dma_wait3A_306 : memref<1x32x4096xf32, #tpu.memory_space<vmem>> -> memref<32x4096xf32, #tpu.memory_space<vmem>>
    %dma_wait3A_308 = arith.constant 32 : i32
    %dma_wait3A_309 = arith.constant 8192 : i32
    %dma_wait3A_310 = tpu.memref_slice %arg0[%dma_wait3A_308, %dma_wait3A_309] : memref<64x32768xf32, #tpu.memory_space<any>> -> memref<32x4096xf32, #tpu.memory_space<any>>
    tpu.wait_dma2 semaphore(%dma_wait3A_303 : memref<!tpu.dma_semaphore, #tpu.memory_space<semaphore_mem>>) src(%dma_wait3A_310 : memref<32x4096xf32, #tpu.memory_space<any>>) dst(%dma_wait3A_307 : memref<32x4096xf32, #tpu.memory_space<vmem>>)
    %get3A_311 = arith.constant 2 : index
    %get3A_312 = arith.constant 0 : index
    %get3A_313 = arith.constant 0 : index
    %get3A_314 = vector.load %arg5[%get3A_311, %get3A_312, %get3A_313] : memref<8x64x4096xf32, #tpu.memory_space<vmem>>, vector<1x64x4096xf32>
    %get3A_315 = vector.shape_cast %get3A_314 : vector<1x64x4096xf32> to vector<64x4096xf32>
    %mul3A_316 = arith.mulf %get3A_315, %get3A_315 : vector<64x4096xf32>
    %get3A_317 = arith.constant 0 : index
    %get3A_318 = arith.constant 0 : index
    %get3A_319 = vector.load %arg3[%get3A_317, %get3A_318] : memref<4096x16xf32, #tpu.memory_space<vmem>>, vector<4096x16xf32>
    %dot_general3A_320 = arith.constant dense<0.000000e+00> : vector<64x16xf32>
    %dot_general3A_321 = tpu.matmul %mul3A_316, %get3A_319, %dot_general3A_320 {dimension_numbers = #tpu.dot_dimension_numbers<[1], [0], [0], [1], [0, 0, 1, 1], [], []>, transpose_lhs_hint = false} : vector<64x4096xf32>, vector<4096x16xf32>, vector<64x16xf32> -> vector<64x16xf32>
    %get3A_322 = arith.constant 2 : index
    %get3A_323 = arith.constant 0 : index
    %get3A_324 = arith.constant 0 : index
    %get3A_325 = vector.load %arg1[%get3A_322, %get3A_323, %get3A_324] : memref<8x64x16xf32, #tpu.memory_space<vmem>>, vector<1x64x16xf32>
    %get3A_326 = vector.shape_cast %get3A_325 : vector<1x64x16xf32> to vector<64x16xf32>
    %mul3A_327 = arith.mulf %dot_general3A_321, %get3A_326 : vector<64x16xf32>
    %mul3A_328 = arith.constant 3.906250e-03 : f32
    %mul3A_329 = vector.broadcast %mul3A_328 : f32 to vector<64x16xf32>
    %mul3A_330 = arith.mulf %mul3A_327, %mul3A_329 : vector<64x16xf32>
    %get3A_331 = arith.constant 32 : index
    %get3A_332 = arith.constant 0 : index
    %get3A_333 = vector.load %arg2[%get3A_331, %get3A_332] : memref<128x16xf32, #tpu.memory_space<vmem>>, vector<16x16xf32>
    %dot_general3A_334 = arith.constant dense<0.000000e+00> : vector<64x16xf32>
    %dot_general3A_335 = tpu.matmul %mul3A_330, %get3A_333, %dot_general3A_334 {dimension_numbers = #tpu.dot_dimension_numbers<[1], [0], [0], [1], [0, 0, 1, 1], [], []>, transpose_lhs_hint = false} : vector<64x16xf32>, vector<16x16xf32>, vector<64x16xf32> -> vector<64x16xf32>
    %add3A_336 = arith.addf %add3A_286, %dot_general3A_335 : vector<64x16xf32>
    %dma_wait3A_337 = arith.constant 3 : i32
    %dma_wait3A_338 = arith.constant 3 : i32
    %dma_wait3A_339 = arith.constant 0 : i32
    %dma_wait3A_340 = tpu.memref_slice %arg6[%dma_wait3A_338, %dma_wait3A_339] : memref<8x2x!tpu.dma_semaphore, #tpu.memory_space<semaphore_mem>> -> memref<1x1x!tpu.dma_semaphore, #tpu.memory_space<semaphore_mem>>
    %dma_wait3A_341 = tpu.memref_squeeze %dma_wait3A_340 : memref<1x1x!tpu.dma_semaphore, #tpu.memory_space<semaphore_mem>> -> memref<!tpu.dma_semaphore, #tpu.memory_space<semaphore_mem>>
    %dma_wait3A_342 = arith.constant 0 : i32
    %dma_wait3A_343 = arith.constant 0 : i32
    %dma_wait3A_344 = tpu.memref_slice %arg5[%dma_wait3A_337, %dma_wait3A_342, %dma_wait3A_343] : memref<8x64x4096xf32, #tpu.memory_space<vmem>> -> memref<1x32x4096xf32, #tpu.memory_space<vmem>>
    %dma_wait3A_345 = tpu.memref_squeeze %dma_wait3A_344 : memref<1x32x4096xf32, #tpu.memory_space<vmem>> -> memref<32x4096xf32, #tpu.memory_space<vmem>>
    %dma_wait3A_346 = arith.constant 0 : i32
    %dma_wait3A_347 = arith.constant 12288 : i32
    %dma_wait3A_348 = tpu.memref_slice %arg0[%dma_wait3A_346, %dma_wait3A_347] : memref<64x32768xf32, #tpu.memory_space<any>> -> memref<32x4096xf32, #tpu.memory_space<any>>
    tpu.wait_dma2 semaphore(%dma_wait3A_341 : memref<!tpu.dma_semaphore, #tpu.memory_space<semaphore_mem>>) src(%dma_wait3A_348 : memref<32x4096xf32, #tpu.memory_space<any>>) dst(%dma_wait3A_345 : memref<32x4096xf32, #tpu.memory_space<vmem>>)
    %dma_wait3A_349 = arith.constant 3 : i32
    %dma_wait3A_350 = arith.constant 3 : i32
    %dma_wait3A_351 = arith.constant 1 : i32
    %dma_wait3A_352 = tpu.memref_slice %arg6[%dma_wait3A_350, %dma_wait3A_351] : memref<8x2x!tpu.dma_semaphore, #tpu.memory_space<semaphore_mem>> -> memref<1x1x!tpu.dma_semaphore, #tpu.memory_space<semaphore_mem>>
    %dma_wait3A_353 = tpu.memref_squeeze %dma_wait3A_352 : memref<1x1x!tpu.dma_semaphore, #tpu.memory_space<semaphore_mem>> -> memref<!tpu.dma_semaphore, #tpu.memory_space<semaphore_mem>>
    %dma_wait3A_354 = arith.constant 32 : i32
    %dma_wait3A_355 = arith.constant 0 : i32
    %dma_wait3A_356 = tpu.memref_slice %arg5[%dma_wait3A_349, %dma_wait3A_354, %dma_wait3A_355] : memref<8x64x4096xf32, #tpu.memory_space<vmem>> -> memref<1x32x4096xf32, #tpu.memory_space<vmem>>
    %dma_wait3A_357 = tpu.memref_squeeze %dma_wait3A_356 : memref<1x32x4096xf32, #tpu.memory_space<vmem>> -> memref<32x4096xf32, #tpu.memory_space<vmem>>
    %dma_wait3A_358 = arith.constant 32 : i32
    %dma_wait3A_359 = arith.constant 12288 : i32
    %dma_wait3A_360 = tpu.memref_slice %arg0[%dma_wait3A_358, %dma_wait3A_359] : memref<64x32768xf32, #tpu.memory_space<any>> -> memref<32x4096xf32, #tpu.memory_space<any>>
    tpu.wait_dma2 semaphore(%dma_wait3A_353 : memref<!tpu.dma_semaphore, #tpu.memory_space<semaphore_mem>>) src(%dma_wait3A_360 : memref<32x4096xf32, #tpu.memory_space<any>>) dst(%dma_wait3A_357 : memref<32x4096xf32, #tpu.memory_space<vmem>>)
    %get3A_361 = arith.constant 3 : index
    %get3A_362 = arith.constant 0 : index
    %get3A_363 = arith.constant 0 : index
    %get3A_364 = vector.load %arg5[%get3A_361, %get3A_362, %get3A_363] : memref<8x64x4096xf32, #tpu.memory_space<vmem>>, vector<1x64x4096xf32>
    %get3A_365 = vector.shape_cast %get3A_364 : vector<1x64x4096xf32> to vector<64x4096xf32>
    %mul3A_366 = arith.mulf %get3A_365, %get3A_365 : vector<64x4096xf32>
    %get3A_367 = arith.constant 0 : index
    %get3A_368 = arith.constant 0 : index
    %get3A_369 = vector.load %arg3[%get3A_367, %get3A_368] : memref<4096x16xf32, #tpu.memory_space<vmem>>, vector<4096x16xf32>
    %dot_general3A_370 = arith.constant dense<0.000000e+00> : vector<64x16xf32>
    %dot_general3A_371 = tpu.matmul %mul3A_366, %get3A_369, %dot_general3A_370 {dimension_numbers = #tpu.dot_dimension_numbers<[1], [0], [0], [1], [0, 0, 1, 1], [], []>, transpose_lhs_hint = false} : vector<64x4096xf32>, vector<4096x16xf32>, vector<64x16xf32> -> vector<64x16xf32>
    %get3A_372 = arith.constant 3 : index
    %get3A_373 = arith.constant 0 : index
    %get3A_374 = arith.constant 0 : index
    %get3A_375 = vector.load %arg1[%get3A_372, %get3A_373, %get3A_374] : memref<8x64x16xf32, #tpu.memory_space<vmem>>, vector<1x64x16xf32>
    %get3A_376 = vector.shape_cast %get3A_375 : vector<1x64x16xf32> to vector<64x16xf32>
    %mul3A_377 = arith.mulf %dot_general3A_371, %get3A_376 : vector<64x16xf32>
    %mul3A_378 = arith.constant 3.906250e-03 : f32
    %mul3A_379 = vector.broadcast %mul3A_378 : f32 to vector<64x16xf32>
    %mul3A_380 = arith.mulf %mul3A_377, %mul3A_379 : vector<64x16xf32>
    %get3A_381 = arith.constant 48 : index
    %get3A_382 = arith.constant 0 : index
    %get3A_383 = vector.load %arg2[%get3A_381, %get3A_382] : memref<128x16xf32, #tpu.memory_space<vmem>>, vector<16x16xf32>
    %dot_general3A_384 = arith.constant dense<0.000000e+00> : vector<64x16xf32>
    %dot_general3A_385 = tpu.matmul %mul3A_380, %get3A_383, %dot_general3A_384 {dimension_numbers = #tpu.dot_dimension_numbers<[1], [0], [0], [1], [0, 0, 1, 1], [], []>, transpose_lhs_hint = false} : vector<64x16xf32>, vector<16x16xf32>, vector<64x16xf32> -> vector<64x16xf32>
    %add3A_386 = arith.addf %add3A_336, %dot_general3A_385 : vector<64x16xf32>
    %dma_wait3A_387 = arith.constant 4 : i32
    %dma_wait3A_388 = arith.constant 4 : i32
    %dma_wait3A_389 = arith.constant 0 : i32
    %dma_wait3A_390 = tpu.memref_slice %arg6[%dma_wait3A_388, %dma_wait3A_389] : memref<8x2x!tpu.dma_semaphore, #tpu.memory_space<semaphore_mem>> -> memref<1x1x!tpu.dma_semaphore, #tpu.memory_space<semaphore_mem>>
    %dma_wait3A_391 = tpu.memref_squeeze %dma_wait3A_390 : memref<1x1x!tpu.dma_semaphore, #tpu.memory_space<semaphore_mem>> -> memref<!tpu.dma_semaphore, #tpu.memory_space<semaphore_mem>>
    %dma_wait3A_392 = arith.constant 0 : i32
    %dma_wait3A_393 = arith.constant 0 : i32
    %dma_wait3A_394 = tpu.memref_slice %arg5[%dma_wait3A_387, %dma_wait3A_392, %dma_wait3A_393] : memref<8x64x4096xf32, #tpu.memory_space<vmem>> -> memref<1x32x4096xf32, #tpu.memory_space<vmem>>
    %dma_wait3A_395 = tpu.memref_squeeze %dma_wait3A_394 : memref<1x32x4096xf32, #tpu.memory_space<vmem>> -> memref<32x4096xf32, #tpu.memory_space<vmem>>
    %dma_wait3A_396 = arith.constant 0 : i32
    %dma_wait3A_397 = arith.constant 16384 : i32
    %dma_wait3A_398 = tpu.memref_slice %arg0[%dma_wait3A_396, %dma_wait3A_397] : memref<64x32768xf32, #tpu.memory_space<any>> -> memref<32x4096xf32, #tpu.memory_space<any>>
    tpu.wait_dma2 semaphore(%dma_wait3A_391 : memref<!tpu.dma_semaphore, #tpu.memory_space<semaphore_mem>>) src(%dma_wait3A_398 : memref<32x4096xf32, #tpu.memory_space<any>>) dst(%dma_wait3A_395 : memref<32x4096xf32, #tpu.memory_space<vmem>>)
    %dma_wait3A_399 = arith.constant 4 : i32
    %dma_wait3A_400 = arith.constant 4 : i32
    %dma_wait3A_401 = arith.constant 1 : i32
    %dma_wait3A_402 = tpu.memref_slice %arg6[%dma_wait3A_400, %dma_wait3A_401] : memref<8x2x!tpu.dma_semaphore, #tpu.memory_space<semaphore_mem>> -> memref<1x1x!tpu.dma_semaphore, #tpu.memory_space<semaphore_mem>>
    %dma_wait3A_403 = tpu.memref_squeeze %dma_wait3A_402 : memref<1x1x!tpu.dma_semaphore, #tpu.memory_space<semaphore_mem>> -> memref<!tpu.dma_semaphore, #tpu.memory_space<semaphore_mem>>
    %dma_wait3A_404 = arith.constant 32 : i32
    %dma_wait3A_405 = arith.constant 0 : i32
    %dma_wait3A_406 = tpu.memref_slice %arg5[%dma_wait3A_399, %dma_wait3A_404, %dma_wait3A_405] : memref<8x64x4096xf32, #tpu.memory_space<vmem>> -> memref<1x32x4096xf32, #tpu.memory_space<vmem>>
    %dma_wait3A_407 = tpu.memref_squeeze %dma_wait3A_406 : memref<1x32x4096xf32, #tpu.memory_space<vmem>> -> memref<32x4096xf32, #tpu.memory_space<vmem>>
    %dma_wait3A_408 = arith.constant 32 : i32
    %dma_wait3A_409 = arith.constant 16384 : i32
    %dma_wait3A_410 = tpu.memref_slice %arg0[%dma_wait3A_408, %dma_wait3A_409] : memref<64x32768xf32, #tpu.memory_space<any>> -> memref<32x4096xf32, #tpu.memory_space<any>>
    tpu.wait_dma2 semaphore(%dma_wait3A_403 : memref<!tpu.dma_semaphore, #tpu.memory_space<semaphore_mem>>) src(%dma_wait3A_410 : memref<32x4096xf32, #tpu.memory_space<any>>) dst(%dma_wait3A_407 : memref<32x4096xf32, #tpu.memory_space<vmem>>)
    %get3A_411 = arith.constant 4 : index
    %get3A_412 = arith.constant 0 : index
    %get3A_413 = arith.constant 0 : index
    %get3A_414 = vector.load %arg5[%get3A_411, %get3A_412, %get3A_413] : memref<8x64x4096xf32, #tpu.memory_space<vmem>>, vector<1x64x4096xf32>
    %get3A_415 = vector.shape_cast %get3A_414 : vector<1x64x4096xf32> to vector<64x4096xf32>
    %mul3A_416 = arith.mulf %get3A_415, %get3A_415 : vector<64x4096xf32>
    %get3A_417 = arith.constant 0 : index
    %get3A_418 = arith.constant 0 : index
    %get3A_419 = vector.load %arg3[%get3A_417, %get3A_418] : memref<4096x16xf32, #tpu.memory_space<vmem>>, vector<4096x16xf32>
    %dot_general3A_420 = arith.constant dense<0.000000e+00> : vector<64x16xf32>
    %dot_general3A_421 = tpu.matmul %mul3A_416, %get3A_419, %dot_general3A_420 {dimension_numbers = #tpu.dot_dimension_numbers<[1], [0], [0], [1], [0, 0, 1, 1], [], []>, transpose_lhs_hint = false} : vector<64x4096xf32>, vector<4096x16xf32>, vector<64x16xf32> -> vector<64x16xf32>
    %get3A_422 = arith.constant 4 : index
    %get3A_423 = arith.constant 0 : index
    %get3A_424 = arith.constant 0 : index
    %get3A_425 = vector.load %arg1[%get3A_422, %get3A_423, %get3A_424] : memref<8x64x16xf32, #tpu.memory_space<vmem>>, vector<1x64x16xf32>
    %get3A_426 = vector.shape_cast %get3A_425 : vector<1x64x16xf32> to vector<64x16xf32>
    %mul3A_427 = arith.mulf %dot_general3A_421, %get3A_426 : vector<64x16xf32>
    %mul3A_428 = arith.constant 3.906250e-03 : f32
    %mul3A_429 = vector.broadcast %mul3A_428 : f32 to vector<64x16xf32>
    %mul3A_430 = arith.mulf %mul3A_427, %mul3A_429 : vector<64x16xf32>
    %get3A_431 = arith.constant 64 : index
    %get3A_432 = arith.constant 0 : index
    %get3A_433 = vector.load %arg2[%get3A_431, %get3A_432] : memref<128x16xf32, #tpu.memory_space<vmem>>, vector<16x16xf32>
    %dot_general3A_434 = arith.constant dense<0.000000e+00> : vector<64x16xf32>
    %dot_general3A_435 = tpu.matmul %mul3A_430, %get3A_433, %dot_general3A_434 {dimension_numbers = #tpu.dot_dimension_numbers<[1], [0], [0], [1], [0, 0, 1, 1], [], []>, transpose_lhs_hint = false} : vector<64x16xf32>, vector<16x16xf32>, vector<64x16xf32> -> vector<64x16xf32>
    %add3A_436 = arith.addf %add3A_386, %dot_general3A_435 : vector<64x16xf32>
    %dma_wait3A_437 = arith.constant 5 : i32
    %dma_wait3A_438 = arith.constant 5 : i32
    %dma_wait3A_439 = arith.constant 0 : i32
    %dma_wait3A_440 = tpu.memref_slice %arg6[%dma_wait3A_438, %dma_wait3A_439] : memref<8x2x!tpu.dma_semaphore, #tpu.memory_space<semaphore_mem>> -> memref<1x1x!tpu.dma_semaphore, #tpu.memory_space<semaphore_mem>>
    %dma_wait3A_441 = tpu.memref_squeeze %dma_wait3A_440 : memref<1x1x!tpu.dma_semaphore, #tpu.memory_space<semaphore_mem>> -> memref<!tpu.dma_semaphore, #tpu.memory_space<semaphore_mem>>
    %dma_wait3A_442 = arith.constant 0 : i32
    %dma_wait3A_443 = arith.constant 0 : i32
    %dma_wait3A_444 = tpu.memref_slice %arg5[%dma_wait3A_437, %dma_wait3A_442, %dma_wait3A_443] : memref<8x64x4096xf32, #tpu.memory_space<vmem>> -> memref<1x32x4096xf32, #tpu.memory_space<vmem>>
    %dma_wait3A_445 = tpu.memref_squeeze %dma_wait3A_444 : memref<1x32x4096xf32, #tpu.memory_space<vmem>> -> memref<32x4096xf32, #tpu.memory_space<vmem>>
    %dma_wait3A_446 = arith.constant 0 : i32
    %dma_wait3A_447 = arith.constant 20480 : i32
    %dma_wait3A_448 = tpu.memref_slice %arg0[%dma_wait3A_446, %dma_wait3A_447] : memref<64x32768xf32, #tpu.memory_space<any>> -> memref<32x4096xf32, #tpu.memory_space<any>>
    tpu.wait_dma2 semaphore(%dma_wait3A_441 : memref<!tpu.dma_semaphore, #tpu.memory_space<semaphore_mem>>) src(%dma_wait3A_448 : memref<32x4096xf32, #tpu.memory_space<any>>) dst(%dma_wait3A_445 : memref<32x4096xf32, #tpu.memory_space<vmem>>)
    %dma_wait3A_449 = arith.constant 5 : i32
    %dma_wait3A_450 = arith.constant 5 : i32
    %dma_wait3A_451 = arith.constant 1 : i32
    %dma_wait3A_452 = tpu.memref_slice %arg6[%dma_wait3A_450, %dma_wait3A_451] : memref<8x2x!tpu.dma_semaphore, #tpu.memory_space<semaphore_mem>> -> memref<1x1x!tpu.dma_semaphore, #tpu.memory_space<semaphore_mem>>
    %dma_wait3A_453 = tpu.memref_squeeze %dma_wait3A_452 : memref<1x1x!tpu.dma_semaphore, #tpu.memory_space<semaphore_mem>> -> memref<!tpu.dma_semaphore, #tpu.memory_space<semaphore_mem>>
    %dma_wait3A_454 = arith.constant 32 : i32
    %dma_wait3A_455 = arith.constant 0 : i32
    %dma_wait3A_456 = tpu.memref_slice %arg5[%dma_wait3A_449, %dma_wait3A_454, %dma_wait3A_455] : memref<8x64x4096xf32, #tpu.memory_space<vmem>> -> memref<1x32x4096xf32, #tpu.memory_space<vmem>>
    %dma_wait3A_457 = tpu.memref_squeeze %dma_wait3A_456 : memref<1x32x4096xf32, #tpu.memory_space<vmem>> -> memref<32x4096xf32, #tpu.memory_space<vmem>>
    %dma_wait3A_458 = arith.constant 32 : i32
    %dma_wait3A_459 = arith.constant 20480 : i32
    %dma_wait3A_460 = tpu.memref_slice %arg0[%dma_wait3A_458, %dma_wait3A_459] : memref<64x32768xf32, #tpu.memory_space<any>> -> memref<32x4096xf32, #tpu.memory_space<any>>
    tpu.wait_dma2 semaphore(%dma_wait3A_453 : memref<!tpu.dma_semaphore, #tpu.memory_space<semaphore_mem>>) src(%dma_wait3A_460 : memref<32x4096xf32, #tpu.memory_space<any>>) dst(%dma_wait3A_457 : memref<32x4096xf32, #tpu.memory_space<vmem>>)
    %get3A_461 = arith.constant 5 : index
    %get3A_462 = arith.constant 0 : index
    %get3A_463 = arith.constant 0 : index
    %get3A_464 = vector.load %arg5[%get3A_461, %get3A_462, %get3A_463] : memref<8x64x4096xf32, #tpu.memory_space<vmem>>, vector<1x64x4096xf32>
    %get3A_465 = vector.shape_cast %get3A_464 : vector<1x64x4096xf32> to vector<64x4096xf32>
    %mul3A_466 = arith.mulf %get3A_465, %get3A_465 : vector<64x4096xf32>
    %get3A_467 = arith.constant 0 : index
    %get3A_468 = arith.constant 0 : index
    %get3A_469 = vector.load %arg3[%get3A_467, %get3A_468] : memref<4096x16xf32, #tpu.memory_space<vmem>>, vector<4096x16xf32>
    %dot_general3A_470 = arith.constant dense<0.000000e+00> : vector<64x16xf32>
    %dot_general3A_471 = tpu.matmul %mul3A_466, %get3A_469, %dot_general3A_470 {dimension_numbers = #tpu.dot_dimension_numbers<[1], [0], [0], [1], [0, 0, 1, 1], [], []>, transpose_lhs_hint = false} : vector<64x4096xf32>, vector<4096x16xf32>, vector<64x16xf32> -> vector<64x16xf32>
    %get3A_472 = arith.constant 5 : index
    %get3A_473 = arith.constant 0 : index
    %get3A_474 = arith.constant 0 : index
    %get3A_475 = vector.load %arg1[%get3A_472, %get3A_473, %get3A_474] : memref<8x64x16xf32, #tpu.memory_space<vmem>>, vector<1x64x16xf32>
    %get3A_476 = vector.shape_cast %get3A_475 : vector<1x64x16xf32> to vector<64x16xf32>
    %mul3A_477 = arith.mulf %dot_general3A_471, %get3A_476 : vector<64x16xf32>
    %mul3A_478 = arith.constant 3.906250e-03 : f32
    %mul3A_479 = vector.broadcast %mul3A_478 : f32 to vector<64x16xf32>
    %mul3A_480 = arith.mulf %mul3A_477, %mul3A_479 : vector<64x16xf32>
    %get3A_481 = arith.constant 80 : index
    %get3A_482 = arith.constant 0 : index
    %get3A_483 = vector.load %arg2[%get3A_481, %get3A_482] : memref<128x16xf32, #tpu.memory_space<vmem>>, vector<16x16xf32>
    %dot_general3A_484 = arith.constant dense<0.000000e+00> : vector<64x16xf32>
    %dot_general3A_485 = tpu.matmul %mul3A_480, %get3A_483, %dot_general3A_484 {dimension_numbers = #tpu.dot_dimension_numbers<[1], [0], [0], [1], [0, 0, 1, 1], [], []>, transpose_lhs_hint = false} : vector<64x16xf32>, vector<16x16xf32>, vector<64x16xf32> -> vector<64x16xf32>
    %add3A_486 = arith.addf %add3A_436, %dot_general3A_485 : vector<64x16xf32>
    %dma_wait3A_487 = arith.constant 6 : i32
    %dma_wait3A_488 = arith.constant 6 : i32
    %dma_wait3A_489 = arith.constant 0 : i32
    %dma_wait3A_490 = tpu.memref_slice %arg6[%dma_wait3A_488, %dma_wait3A_489] : memref<8x2x!tpu.dma_semaphore, #tpu.memory_space<semaphore_mem>> -> memref<1x1x!tpu.dma_semaphore, #tpu.memory_space<semaphore_mem>>
    %dma_wait3A_491 = tpu.memref_squeeze %dma_wait3A_490 : memref<1x1x!tpu.dma_semaphore, #tpu.memory_space<semaphore_mem>> -> memref<!tpu.dma_semaphore, #tpu.memory_space<semaphore_mem>>
    %dma_wait3A_492 = arith.constant 0 : i32
    %dma_wait3A_493 = arith.constant 0 : i32
    %dma_wait3A_494 = tpu.memref_slice %arg5[%dma_wait3A_487, %dma_wait3A_492, %dma_wait3A_493] : memref<8x64x4096xf32, #tpu.memory_space<vmem>> -> memref<1x32x4096xf32, #tpu.memory_space<vmem>>
    %dma_wait3A_495 = tpu.memref_squeeze %dma_wait3A_494 : memref<1x32x4096xf32, #tpu.memory_space<vmem>> -> memref<32x4096xf32, #tpu.memory_space<vmem>>
    %dma_wait3A_496 = arith.constant 0 : i32
    %dma_wait3A_497 = arith.constant 24576 : i32
    %dma_wait3A_498 = tpu.memref_slice %arg0[%dma_wait3A_496, %dma_wait3A_497] : memref<64x32768xf32, #tpu.memory_space<any>> -> memref<32x4096xf32, #tpu.memory_space<any>>
    tpu.wait_dma2 semaphore(%dma_wait3A_491 : memref<!tpu.dma_semaphore, #tpu.memory_space<semaphore_mem>>) src(%dma_wait3A_498 : memref<32x4096xf32, #tpu.memory_space<any>>) dst(%dma_wait3A_495 : memref<32x4096xf32, #tpu.memory_space<vmem>>)
    %dma_wait3A_499 = arith.constant 6 : i32
    %dma_wait3A_500 = arith.constant 6 : i32
    %dma_wait3A_501 = arith.constant 1 : i32
    %dma_wait3A_502 = tpu.memref_slice %arg6[%dma_wait3A_500, %dma_wait3A_501] : memref<8x2x!tpu.dma_semaphore, #tpu.memory_space<semaphore_mem>> -> memref<1x1x!tpu.dma_semaphore, #tpu.memory_space<semaphore_mem>>
    %dma_wait3A_503 = tpu.memref_squeeze %dma_wait3A_502 : memref<1x1x!tpu.dma_semaphore, #tpu.memory_space<semaphore_mem>> -> memref<!tpu.dma_semaphore, #tpu.memory_space<semaphore_mem>>
    %dma_wait3A_504 = arith.constant 32 : i32
    %dma_wait3A_505 = arith.constant 0 : i32
    %dma_wait3A_506 = tpu.memref_slice %arg5[%dma_wait3A_499, %dma_wait3A_504, %dma_wait3A_505] : memref<8x64x4096xf32, #tpu.memory_space<vmem>> -> memref<1x32x4096xf32, #tpu.memory_space<vmem>>
    %dma_wait3A_507 = tpu.memref_squeeze %dma_wait3A_506 : memref<1x32x4096xf32, #tpu.memory_space<vmem>> -> memref<32x4096xf32, #tpu.memory_space<vmem>>
    %dma_wait3A_508 = arith.constant 32 : i32
    %dma_wait3A_509 = arith.constant 24576 : i32
    %dma_wait3A_510 = tpu.memref_slice %arg0[%dma_wait3A_508, %dma_wait3A_509] : memref<64x32768xf32, #tpu.memory_space<any>> -> memref<32x4096xf32, #tpu.memory_space<any>>
    tpu.wait_dma2 semaphore(%dma_wait3A_503 : memref<!tpu.dma_semaphore, #tpu.memory_space<semaphore_mem>>) src(%dma_wait3A_510 : memref<32x4096xf32, #tpu.memory_space<any>>) dst(%dma_wait3A_507 : memref<32x4096xf32, #tpu.memory_space<vmem>>)
    %get3A_511 = arith.constant 6 : index
    %get3A_512 = arith.constant 0 : index
    %get3A_513 = arith.constant 0 : index
    %get3A_514 = vector.load %arg5[%get3A_511, %get3A_512, %get3A_513] : memref<8x64x4096xf32, #tpu.memory_space<vmem>>, vector<1x64x4096xf32>
    %get3A_515 = vector.shape_cast %get3A_514 : vector<1x64x4096xf32> to vector<64x4096xf32>
    %mul3A_516 = arith.mulf %get3A_515, %get3A_515 : vector<64x4096xf32>
    %get3A_517 = arith.constant 0 : index
    %get3A_518 = arith.constant 0 : index
    %get3A_519 = vector.load %arg3[%get3A_517, %get3A_518] : memref<4096x16xf32, #tpu.memory_space<vmem>>, vector<4096x16xf32>
    %dot_general3A_520 = arith.constant dense<0.000000e+00> : vector<64x16xf32>
    %dot_general3A_521 = tpu.matmul %mul3A_516, %get3A_519, %dot_general3A_520 {dimension_numbers = #tpu.dot_dimension_numbers<[1], [0], [0], [1], [0, 0, 1, 1], [], []>, transpose_lhs_hint = false} : vector<64x4096xf32>, vector<4096x16xf32>, vector<64x16xf32> -> vector<64x16xf32>
    %get3A_522 = arith.constant 6 : index
    %get3A_523 = arith.constant 0 : index
    %get3A_524 = arith.constant 0 : index
    %get3A_525 = vector.load %arg1[%get3A_522, %get3A_523, %get3A_524] : memref<8x64x16xf32, #tpu.memory_space<vmem>>, vector<1x64x16xf32>
    %get3A_526 = vector.shape_cast %get3A_525 : vector<1x64x16xf32> to vector<64x16xf32>
    %mul3A_527 = arith.mulf %dot_general3A_521, %get3A_526 : vector<64x16xf32>
    %mul3A_528 = arith.constant 3.906250e-03 : f32
    %mul3A_529 = vector.broadcast %mul3A_528 : f32 to vector<64x16xf32>
    %mul3A_530 = arith.mulf %mul3A_527, %mul3A_529 : vector<64x16xf32>
    %get3A_531 = arith.constant 96 : index
    %get3A_532 = arith.constant 0 : index
    %get3A_533 = vector.load %arg2[%get3A_531, %get3A_532] : memref<128x16xf32, #tpu.memory_space<vmem>>, vector<16x16xf32>
    %dot_general3A_534 = arith.constant dense<0.000000e+00> : vector<64x16xf32>
    %dot_general3A_535 = tpu.matmul %mul3A_530, %get3A_533, %dot_general3A_534 {dimension_numbers = #tpu.dot_dimension_numbers<[1], [0], [0], [1], [0, 0, 1, 1], [], []>, transpose_lhs_hint = false} : vector<64x16xf32>, vector<16x16xf32>, vector<64x16xf32> -> vector<64x16xf32>
    %add3A_536 = arith.addf %add3A_486, %dot_general3A_535 : vector<64x16xf32>
    %dma_wait3A_537 = arith.constant 7 : i32
    %dma_wait3A_538 = arith.constant 7 : i32
    %dma_wait3A_539 = arith.constant 0 : i32
    %dma_wait3A_540 = tpu.memref_slice %arg6[%dma_wait3A_538, %dma_wait3A_539] : memref<8x2x!tpu.dma_semaphore, #tpu.memory_space<semaphore_mem>> -> memref<1x1x!tpu.dma_semaphore, #tpu.memory_space<semaphore_mem>>
    %dma_wait3A_541 = tpu.memref_squeeze %dma_wait3A_540 : memref<1x1x!tpu.dma_semaphore, #tpu.memory_space<semaphore_mem>> -> memref<!tpu.dma_semaphore, #tpu.memory_space<semaphore_mem>>
    %dma_wait3A_542 = arith.constant 0 : i32
    %dma_wait3A_543 = arith.constant 0 : i32
    %dma_wait3A_544 = tpu.memref_slice %arg5[%dma_wait3A_537, %dma_wait3A_542, %dma_wait3A_543] : memref<8x64x4096xf32, #tpu.memory_space<vmem>> -> memref<1x32x4096xf32, #tpu.memory_space<vmem>>
    %dma_wait3A_545 = tpu.memref_squeeze %dma_wait3A_544 : memref<1x32x4096xf32, #tpu.memory_space<vmem>> -> memref<32x4096xf32, #tpu.memory_space<vmem>>
    %dma_wait3A_546 = arith.constant 0 : i32
    %dma_wait3A_547 = arith.constant 28672 : i32
    %dma_wait3A_548 = tpu.memref_slice %arg0[%dma_wait3A_546, %dma_wait3A_547] : memref<64x32768xf32, #tpu.memory_space<any>> -> memref<32x4096xf32, #tpu.memory_space<any>>
    tpu.wait_dma2 semaphore(%dma_wait3A_541 : memref<!tpu.dma_semaphore, #tpu.memory_space<semaphore_mem>>) src(%dma_wait3A_548 : memref<32x4096xf32, #tpu.memory_space<any>>) dst(%dma_wait3A_545 : memref<32x4096xf32, #tpu.memory_space<vmem>>)
    %dma_wait3A_549 = arith.constant 7 : i32
    %dma_wait3A_550 = arith.constant 7 : i32
    %dma_wait3A_551 = arith.constant 1 : i32
    %dma_wait3A_552 = tpu.memref_slice %arg6[%dma_wait3A_550, %dma_wait3A_551] : memref<8x2x!tpu.dma_semaphore, #tpu.memory_space<semaphore_mem>> -> memref<1x1x!tpu.dma_semaphore, #tpu.memory_space<semaphore_mem>>
    %dma_wait3A_553 = tpu.memref_squeeze %dma_wait3A_552 : memref<1x1x!tpu.dma_semaphore, #tpu.memory_space<semaphore_mem>> -> memref<!tpu.dma_semaphore, #tpu.memory_space<semaphore_mem>>
    %dma_wait3A_554 = arith.constant 32 : i32
    %dma_wait3A_555 = arith.constant 0 : i32
    %dma_wait3A_556 = tpu.memref_slice %arg5[%dma_wait3A_549, %dma_wait3A_554, %dma_wait3A_555] : memref<8x64x4096xf32, #tpu.memory_space<vmem>> -> memref<1x32x4096xf32, #tpu.memory_space<vmem>>
    %dma_wait3A_557 = tpu.memref_squeeze %dma_wait3A_556 : memref<1x32x4096xf32, #tpu.memory_space<vmem>> -> memref<32x4096xf32, #tpu.memory_space<vmem>>
    %dma_wait3A_558 = arith.constant 32 : i32
    %dma_wait3A_559 = arith.constant 28672 : i32
    %dma_wait3A_560 = tpu.memref_slice %arg0[%dma_wait3A_558, %dma_wait3A_559] : memref<64x32768xf32, #tpu.memory_space<any>> -> memref<32x4096xf32, #tpu.memory_space<any>>
    tpu.wait_dma2 semaphore(%dma_wait3A_553 : memref<!tpu.dma_semaphore, #tpu.memory_space<semaphore_mem>>) src(%dma_wait3A_560 : memref<32x4096xf32, #tpu.memory_space<any>>) dst(%dma_wait3A_557 : memref<32x4096xf32, #tpu.memory_space<vmem>>)
    %get3A_561 = arith.constant 7 : index
    %get3A_562 = arith.constant 0 : index
    %get3A_563 = arith.constant 0 : index
    %get3A_564 = vector.load %arg5[%get3A_561, %get3A_562, %get3A_563] : memref<8x64x4096xf32, #tpu.memory_space<vmem>>, vector<1x64x4096xf32>
    %get3A_565 = vector.shape_cast %get3A_564 : vector<1x64x4096xf32> to vector<64x4096xf32>
    %mul3A_566 = arith.mulf %get3A_565, %get3A_565 : vector<64x4096xf32>
    %get3A_567 = arith.constant 0 : index
    %get3A_568 = arith.constant 0 : index
    %get3A_569 = vector.load %arg3[%get3A_567, %get3A_568] : memref<4096x16xf32, #tpu.memory_space<vmem>>, vector<4096x16xf32>
    %dot_general3A_570 = arith.constant dense<0.000000e+00> : vector<64x16xf32>
    %dot_general3A_571 = tpu.matmul %mul3A_566, %get3A_569, %dot_general3A_570 {dimension_numbers = #tpu.dot_dimension_numbers<[1], [0], [0], [1], [0, 0, 1, 1], [], []>, transpose_lhs_hint = false} : vector<64x4096xf32>, vector<4096x16xf32>, vector<64x16xf32> -> vector<64x16xf32>
    %get3A_572 = arith.constant 7 : index
    %get3A_573 = arith.constant 0 : index
    %get3A_574 = arith.constant 0 : index
    %get3A_575 = vector.load %arg1[%get3A_572, %get3A_573, %get3A_574] : memref<8x64x16xf32, #tpu.memory_space<vmem>>, vector<1x64x16xf32>
    %get3A_576 = vector.shape_cast %get3A_575 : vector<1x64x16xf32> to vector<64x16xf32>
    %mul3A_577 = arith.mulf %dot_general3A_571, %get3A_576 : vector<64x16xf32>
    %mul3A_578 = arith.constant 3.906250e-03 : f32
    %mul3A_579 = vector.broadcast %mul3A_578 : f32 to vector<64x16xf32>
    %mul3A_580 = arith.mulf %mul3A_577, %mul3A_579 : vector<64x16xf32>
    %get3A_581 = arith.constant 112 : index
    %get3A_582 = arith.constant 0 : index
    %get3A_583 = vector.load %arg2[%get3A_581, %get3A_582] : memref<128x16xf32, #tpu.memory_space<vmem>>, vector<16x16xf32>
    %dot_general3A_584 = arith.constant dense<0.000000e+00> : vector<64x16xf32>
    %dot_general3A_585 = tpu.matmul %mul3A_580, %get3A_583, %dot_general3A_584 {dimension_numbers = #tpu.dot_dimension_numbers<[1], [0], [0], [1], [0, 0, 1, 1], [], []>, transpose_lhs_hint = false} : vector<64x16xf32>, vector<16x16xf32>, vector<64x16xf32> -> vector<64x16xf32>
    %add3A_586 = arith.addf %add3A_536, %dot_general3A_585 : vector<64x16xf32>
    %swap3A = arith.constant 0 : index
    %swap3A_587 = arith.constant 0 : index
    %swap3A_588 = vector.load %arg4[%swap3A, %swap3A_587] : memref<64x16xf32, #tpu.memory_space<vmem>>, vector<64x16xf32>
    tpu.vector_store %arg4[%swap3A, %swap3A_587], %add3A_586 {strides = array<i32>} : memref<64x16xf32, #tpu.memory_space<vmem>>, vector<64x16xf32>,
    return
  }
}

module attributes {stable_mosaic.version = 14 : i64} {
  func.func @_combine_body(%arg0: memref<64x16xf32, #tpu.memory_space<vmem>>, %arg1: memref<64x1xf32, #tpu.memory_space<vmem>>, %arg2: memref<64x1xf32, #tpu.memory_space<vmem>>, %arg3: memref<64x16xf32, #tpu.memory_space<vmem>>, %arg4: memref<64x1xi32, #tpu.memory_space<vmem>>, %arg5: memref<1x16xf32, #tpu.memory_space<vmem>>, %arg6: memref<1x1xf32, #tpu.memory_space<vmem>>) attributes {dimension_semantics = [], scalar_prefetch = 0 : i64, scratch_operands = 0 : i64, tpu.core_type = #tpu.core_type<tc>} {
    %get3A = arith.constant 0 : index
    %get3A_0 = arith.constant 0 : index
    %get3A_1 = vector.load %arg2[%get3A, %get3A_0] : memref<64x1xf32, #tpu.memory_space<vmem>>, vector<64x1xf32>
    %get3A_2 = arith.constant 0 : index
    %get3A_3 = arith.constant 0 : index
    %get3A_4 = vector.load %arg0[%get3A_2, %get3A_3] : memref<64x16xf32, #tpu.memory_space<vmem>>, vector<64x16xf32>
    %mul3A = vector.broadcast %get3A_1 : vector<64x1xf32> to vector<64x16xf32>
    %mul3A_5 = arith.mulf %mul3A, %get3A_4 : vector<64x16xf32>
    %get3A_6 = arith.constant 0 : index
    %get3A_7 = arith.constant 0 : index
    %get3A_8 = vector.load %arg5[%get3A_6, %get3A_7] : memref<1x16xf32, #tpu.memory_space<vmem>>, vector<1x16xf32>
    %add3A = vector.broadcast %get3A_8 : vector<1x16xf32> to vector<64x16xf32>
    %add3A_9 = arith.addf %mul3A_5, %add3A : vector<64x16xf32>
    %reduce_max3A = arith.constant dense<0xFF800000> : vector<64xf32>
    %reduce_max3A_10 = vector.multi_reduction <maximumf>, %add3A_9, %reduce_max3A [1] : vector<64x16xf32> to vector<64xf32>
    %broadcast_in_dim3A = vector.shape_cast %reduce_max3A_10 : vector<64xf32> to vector<64x1xf32>
    %sub3A = vector.broadcast %broadcast_in_dim3A : vector<64x1xf32> to vector<64x16xf32>
    %sub3A_11 = arith.subf %add3A_9, %sub3A : vector<64x16xf32>
    %exp3A = math.exp %sub3A_11 : vector<64x16xf32>
    %reduce_sum3A = arith.constant dense<0.000000e+00> : vector<64xf32>
    %reduce_sum3A_12 = vector.multi_reduction <add>, %exp3A, %reduce_sum3A [1] : vector<64x16xf32> to vector<64xf32>
    %broadcast_in_dim3A_13 = vector.shape_cast %reduce_sum3A_12 : vector<64xf32> to vector<64x1xf32>
    %div3A = vector.broadcast %broadcast_in_dim3A_13 : vector<64x1xf32> to vector<64x16xf32>
    %div3A_14 = arith.divf %exp3A, %div3A : vector<64x16xf32>
    %iota3A = tpu.iota {dimensions = array<i32: 1>} : vector<64x16xi32>
    %get3A_15 = arith.constant 0 : index
    %get3A_16 = arith.constant 0 : index
    %get3A_17 = vector.load %arg4[%get3A_15, %get3A_16] : memref<64x1xi32, #tpu.memory_space<vmem>>, vector<64x1xi32>
    %eq3A = vector.broadcast %get3A_17 : vector<64x1xi32> to vector<64x16xi32>
    %eq3A_18 = arith.cmpi eq, %iota3A, %eq3A : vector<64x16xi32>
    %convert_element_type3A = arith.extui %eq3A_18 : vector<64x16xi1> to vector<64x16xi32>
    %convert_element_type3A_19 = arith.sitofp %convert_element_type3A : vector<64x16xi32> to vector<64x16xf32>
    %mul3A_20 = arith.mulf %div3A_14, %convert_element_type3A_19 : vector<64x16xf32>
    %reduce_sum3A_21 = arith.constant dense<0.000000e+00> : vector<64xf32>
    %reduce_sum3A_22 = vector.multi_reduction <add>, %mul3A_20, %reduce_sum3A_21 [1] : vector<64x16xf32> to vector<64xf32>
    %sub3A_23 = arith.constant 1.000000e+00 : f32
    %sub3A_24 = vector.broadcast %sub3A_23 : f32 to vector<64xf32>
    %sub3A_25 = arith.subf %sub3A_24, %reduce_sum3A_22 : vector<64xf32>
    %get3A_26 = arith.constant 0 : index
    %get3A_27 = arith.constant 0 : index
    %get3A_28 = vector.load %arg1[%get3A_26, %get3A_27] : memref<64x1xf32, #tpu.memory_space<vmem>>, vector<64x1xf32>
    %squeeze3A = vector.shape_cast %get3A_28 : vector<64x1xf32> to vector<64xf32>
    %log3A = math.log %squeeze3A : vector<64xf32>
    %mul3A_29 = arith.mulf %squeeze3A, %log3A : vector<64xf32>
    %mul3A_30 = arith.mulf %sub3A_25, %mul3A_29 : vector<64xf32>
    %reduce_sum3A_31 = vector.shape_cast %mul3A_30 : vector<64xf32> to vector<1x64xf32>
    %reduce_sum3A_32 = arith.constant dense<0.000000e+00> : vector<1xf32>
    %reduce_sum3A_33 = vector.multi_reduction <add>, %reduce_sum3A_31, %reduce_sum3A_32 [1] : vector<1x64xf32> to vector<1xf32>
    %reduce_sum3A_34 = vector.shape_cast %reduce_sum3A_33 : vector<1xf32> to vector<1x1xf32>
    %reduce_sum3A_35 = vector.extract %reduce_sum3A_34[0, 0] : f32 from vector<1x1xf32>
    %mul3A_36 = arith.constant 1.562500e-02 : f32
    %mul3A_37 = arith.mulf %reduce_sum3A_35, %mul3A_36 : f32
    %get3A_38 = arith.constant 0 : index
    %get3A_39 = arith.constant 0 : index
    %get3A_40 = vector.load %arg3[%get3A_38, %get3A_39] : memref<64x16xf32, #tpu.memory_space<vmem>>, vector<64x16xf32>
    %neg3A = arith.constant 0.000000e+00 : f32
    %neg3A_41 = vector.broadcast %neg3A : f32 to vector<64x16xf32>
    %neg3A_42 = arith.subf %neg3A_41, %get3A_40 : vector<64x16xf32>
    %add3A_43 = arith.constant 9.99999996E-13 : f32
    %add3A_44 = vector.broadcast %add3A_43 : f32 to vector<64x16xf32>
    %add3A_45 = arith.addf %get3A_40, %add3A_44 : vector<64x16xf32>
    %log3A_46 = math.log %add3A_45 : vector<64x16xf32>
    %mul3A_47 = arith.mulf %neg3A_42, %log3A_46 : vector<64x16xf32>
    %reduce_sum3A_48 = vector.shape_cast %mul3A_47 : vector<64x16xf32> to vector<1x64x16xf32>
    %reduce_sum3A_49 = arith.constant dense<0.000000e+00> : vector<1xf32>
    %reduce_sum3A_50 = vector.multi_reduction <add>, %reduce_sum3A_48, %reduce_sum3A_49 [1, 2] : vector<1x64x16xf32> to vector<1xf32>
    %reduce_sum3A_51 = vector.shape_cast %reduce_sum3A_50 : vector<1xf32> to vector<1x1x1xf32>
    %reduce_sum3A_52 = vector.extract %reduce_sum3A_51[0, 0, 0] : f32 from vector<1x1x1xf32>
    %mul3A_53 = arith.constant 1.562500e-02 : f32
    %mul3A_54 = arith.mulf %reduce_sum3A_52, %mul3A_53 : f32
    %mul3A_55 = arith.constant 0.00999999977 : f32
    %mul3A_56 = arith.mulf %mul3A_55, %mul3A_54 : f32
    %sub3A_57 = arith.subf %mul3A_37, %mul3A_56 : f32
    %reshape3A = vector.broadcast %sub3A_57 : f32 to vector<1x1xf32>
    %swap3A = arith.constant 0 : index
    %swap3A_58 = arith.constant 0 : index
    %swap3A_59 = vector.load %arg6[%swap3A, %swap3A_58] : memref<1x1xf32, #tpu.memory_space<vmem>>, vector<1x1xf32>
    tpu.vector_store %arg6[%swap3A, %swap3A_58], %reshape3A {strides = array<i32>} : memref<1x1xf32, #tpu.memory_space<vmem>>, vector<1x1xf32>,
    return
  }
}

</mosaic_0001>

<sc_bundles>
// kernel: kernel.5.cloned.1.call-start
scs
__scs_entry_jumppad:
0x0: {  	(pc) =	sbr.rel $0x88, $3  }
0x1: {  	(tag) =	ssettag $0x0;
	lr =	simm.s32 $0x1  }
0x2: {  	[smem:$0x3F9B] =	sst lr;
	_ =	strace $0xD0000000  }
0x3: {  	_ = 	snop  }
0x4: {  	_ = 	snop  }
0x5: {  	_ = 	snop  }
0x6: {  	_ = 	snop  }
0x7: {  	_ = 	snop  }
__scs_overlays_trampoline_lowered:
0x8: {  	[smem:$0x3FAA] =	sst s0  }
0x9: {  	[smem:$0x3FAB] =	sst s1  }
0xa: {  	[smem:$0x3FAC] =	sst s2  }
0xb: {  	[smem:$0x3FAD] =	sst s3  }
0xc: {  	[smem:$0x3FAE] =	sst s4  }
0xd: {  	[smem:$0x3FAF] =	sst s5  }
0xe: {  	[smem:$0x3FB0] =	sst s6  }
0xf: {  	[smem:$0x3FB1] =	sst s7  }
0x10: {  	[smem:$0x3FB2] =	sst s8  }
0x11: {  	[smem:$0x3FB3] =	sst s9;
	s0 =	simm.s32 @!p0 $0x0  }
0x12: {  	s1 =	sld [smem:$0x3F99];
	s0 =	simm.s32 @p0 $0x1  }
0x13: {  	[smem:$0x3FB4] =	sst s0;
	s0 =	simm.s32 @!p1 $0x0  }
0x14: {  	s2 =	sld [smem:$0x3F98];
	s0 =	simm.s32 @p1 $0x1  }
0x15: {  	[smem:$0x3FB5] =	sst s0;
	s0 =	simm.s32 @!p2 $0x0  }
0x16: {  	s3 =	sld [smem:$0x3FDB];
	s0 =	simm.s32 @p2 $0x1  }
0x17: {  	s4 =	simm.s32 $0x1BF5;
	[smem:$0x3FB7] =	sst s0  }
0x18: {  	s0 =	sld [smem:$0x3F9A];
	_ =	swait.ge [sflag:s4], $0x0  }
0x19: {  	s7 =	sld [smem:$0x3F9B]  }
0x1a: {  	s8 =	sadd.s32 $0xFFFFE003, lr  }
0x1b: {  	s9 =	sadd.s32 $0xFFFFFEF7, lr;
	s5 =	simm.s32 $0xFFFFFFFF;
	p2 =	slt.u32 s8, $0xFFFFF086  }
0x1c: {  	p1 =	slt.u32 s9, $0xF7A;
	s5 =	simm.s32 @!p2 $0x0  }
0x1d: {  	s5 =	simm.s32 @p1 $0x1;
	p0 =	seq.s32 s7, s2  }
0x1e: {  	s7 =	smul.u32 @!p0 $0xF7A, s2;
	p2 =	seq.s32 @!p0 s5, $0x0  }
0x1f: {  	s9 =	smul.u32 $0xF7A, s1;
	s8 =	simm.s32 @!p0 $0x1BF5;
	p2 =	por !p2, p0  }
0x20: {  	[sflag:s8] =	ssyncset.s32 @!p0 $0xFFFFF086;
	s6 =	sadd.s32 @!p0 s3, s7;
	s7 =	simm.s32 @!p0 $0x108  }
0x21: {  	s3 =	sadd.s32 s3, s9;
	s6 =	sadd.s32 @!p0 $0x88, s6;
	s7 =	simm.s32 @p2 $0x1082  }
0x22: {  	[simem:s7], [sflag:s8] =	dma.local @!p0 [hbm:s6], $0xF7A  }
0x23: {  	s9 =	sor.u32 $0xD0000000, s2;
	s6 =	simm.s32 $0x108;
	_ =	swait.ge @!p0 [sflag:s8], $0x0  }
0x24: {  	s3 =	sadd.s32 $0x88, s3;
	s6 =	simm.s32 @!p1 $0x1082;
	[sflag:s4] =	ssyncset.s32 $0xFFFFF086  }
0x25: {  	[simem:s6], [sflag:s4] =	dma.local [hbm:s3], $0xF7A  }
0x26: {  	[smem:$0x3F9B] =	sst s1;
	(tag) =	ssettag s2;
	_ =	strace s9  }
0x27: {  	s1 =	sld [smem:$0x3FAB]  }
0x28: {  	s2 =	sld [smem:$0x3FAC]  }
0x29: {  	s4 =	sld [smem:$0x3FAE]  }
0x2a: {  	p0 =	seq.s32 s5, $0x0;
	s5 =	sld [smem:$0x3FAF]  }
0x2b: {  	s6 =	sld [smem:$0x3FB0]  }
0x2c: {  	s7 =	sld [smem:$0x3FB1]  }
0x2d: {  	s3 =	simm.s32 $0x108;
	s8 =	sld [smem:$0x3FB2]  }
0x2e: {  	s3 =	simm.s32 @!p0 $0x1082;
	s9 =	sld [smem:$0x3FB3]  }
0x2f: {  	lr =	sadd.s32 s0, s3;
	s0 =	sld [smem:$0x3FAA]  }
0x30: {  	s3 =	sld [smem:$0x3FAD]  }
0x31: {  	[smem:$0x3FB6] =	sst s10  }
0x32: {  	s10 =	sld [smem:$0x3FB4];
	_ =	sdelay $0x3  }
0x33: {  	p0 =	seq.s32 s10, $0x1;
	s10 =	sld [smem:$0x3FB6];
	_ =	sdelay $0x3  }
0x34: {  	[smem:$0x3FB6] =	sst s10  }
0x35: {  	s10 =	sld [smem:$0x3FB5];
	_ =	sdelay $0x3  }
0x36: {  	p1 =	seq.s32 s10, $0x1;
	s10 =	sld [smem:$0x3FB6];
	_ =	sdelay $0x3  }
0x37: {  	[smem:$0x3FB6] =	sst s10  }
0x38: {  	s10 =	sld [smem:$0x3FB7]  }
0x39: {  	_ = 	snop;
	(pc) =	sbr.ind lr, $3  }
0x3a: {  	_ = 	snop  }
0x3b: {  	_ = 	snop  }
0x3c: {  	p2 =	seq.s32 s10, $0x1;
	s10 =	sld [smem:$0x3FB6]  }
0x3d: {  	_ =	shalt  }
0x3e: {  	_ =	shalt  }
0x3f: {  	_ =	shalt  }
0x40: {  	_ =	shalt  }
0x41: {  	_ =	shalt  }
0x42: {  	_ =	shalt  }
0x43: {  	_ =	shalt  }
0x44: {  	_ =	shalt  }
0x45: {  	_ =	shalt  }
0x46: {  	_ =	shalt  }
0x47: {  	_ =	shalt  }
0x48: {  	_ =	shalt  }
0x49: {  	_ =	shalt  }
0x4a: {  	_ =	shalt  }
0x4b: {  	_ =	shalt  }
0x4c: {  	_ =	shalt  }
0x4d: {  	_ =	shalt  }
0x4e: {  	_ =	shalt  }
0x4f: {  	_ =	shalt  }
0x50: {  	_ =	shalt  }
0x51: {  	_ =	shalt  }
0x52: {  	_ =	shalt  }
0x53: {  	_ =	shalt  }
0x54: {  	_ =	shalt  }
0x55: {  	_ =	shalt  }
0x56: {  	_ =	shalt  }
0x57: {  	_ =	shalt  }
0x58: {  	_ =	shalt  }
0x59: {  	_ =	shalt  }
0x5a: {  	_ =	shalt  }
0x5b: {  	_ =	shalt  }
0x5c: {  	_ =	shalt  }
0x5d: {  	_ =	shalt  }
0x5e: {  	_ =	shalt  }
0x5f: {  	_ =	shalt  }
0x60: {  	_ =	shalt  }
0x61: {  	_ =	shalt  }
0x62: {  	_ =	shalt  }
0x63: {  	_ =	shalt  }
0x64: {  	_ =	shalt  }
0x65: {  	_ =	shalt  }
0x66: {  	_ =	shalt  }
0x67: {  	_ =	shalt  }
0x68: {  	_ =	shalt  }
0x69: {  	_ =	shalt  }
0x6a: {  	_ =	shalt  }
0x6b: {  	_ =	shalt  }
0x6c: {  	_ =	shalt  }
0x6d: {  	_ =	shalt  }
0x6e: {  	_ =	shalt  }
0x6f: {  	_ =	shalt  }
0x70: {  	_ =	shalt  }
0x71: {  	_ =	shalt  }
0x72: {  	_ =	shalt  }
0x73: {  	_ =	shalt  }
0x74: {  	_ =	shalt  }
0x75: {  	_ =	shalt  }
0x76: {  	_ =	shalt  }
0x77: {  	_ =	shalt  }
0x78: {  	_ =	shalt  }
0x79: {  	_ =	shalt  }
0x7a: {  	_ =	shalt  }
0x7b: {  	_ =	shalt  }
0x7c: {  	_ =	shalt  }
0x7d: {  	_ =	shalt  }
0x7e: {  	_ =	shalt  }
0x7f: {  	_ =	shalt  }
0x80: {  	_ =	shalt  }
0x81: {  	_ =	shalt  }
0x82: {  	_ =	shalt  }
0x83: {  	_ =	shalt  }
0x84: {  	_ =	shalt  }
0x85: {  	_ =	shalt  }
0x86: {  	_ =	shalt  }
0x87: {  	_ =	shalt  }
.Lfunc_end0:
.L_simem_size_0:
called_computation_lowered:
.L_overlay_start_0:
0x88: {  	s2 =	sld [smem:$0x3FD9]  }
0x89: {  	s3 =	sld [smem:$0x3FFE];
	_ =	sdelay $0x1  }
0x8a: {  	s1 =	srdreg.scid  }
0x8b: {  	s0 =	sand.u32 $0x1, s1  }
0x8c: {  	s16 =	sshll.u32 s0, $0xA;
	s2 =	sadd.s32 s3, s2  }
0x8d: {  	s2 =	sadd.s32 s2, s16  }
0x8e: {  	[smem:$0x3FC2] =	sst s2  }
0x8f: {  	_ = 	snop  }
0x90: {  	(tm) =	ssettm $0x1  }
0x91: {  	s17 =	sld [smem:$0x3FFB];
	_ =	sdelay $0x3  }
0x92: {  	_ =	strace s17  }
0x93: {  	s2 =	sld [smem:$0x3FFC];
	_ =	sdelay $0x3  }
0x94: {  	_ =	strace s2  }
0x95: {  	s2 =	sld [smem:$0x3FFD];
	_ =	sdelay $0x3  }
0x96: {  	_ =	strace s2  }
0x97: {  	_ =	strace $0x8FFFFFFF  }
0x98: {  	s18 =	sld [smem:$0x3FDB];
	_ =	sdelay $0x1  }
0x99: {  	s19 =	simm.s32 $_scs_section_size  }
0x9a: {  	s4 =	simm.s32 $_size__tile_overlayer_lowered;
	s5 =	simm.s32 $_tile_overlayer_lowered  }
0x9b: {  	s22 =	simm.s32 $0x1BFF;
	s21 =	sshll.u32 s5, $0x1;
	s2 =	sadd.s32 s19, s18  }
0x9c: {  	s6 =	simm.s32 $0x0;
	s20 =	sshll.u32 s4, $0x1;
	s4 =	sadd.s32 s21, s2  }
0x9d: {  	[timem:s6], [sflag:s22] =	dma.local [hbm:s4], s20  }
0x9e: {  	_ =	swait.ge [sflag:s22], s20  }
0x9f: {  	s3 =	ssub.s32 $0x0, s20;
	[sflag:s22] =	ssyncset.done $0x0  }
0xa0: {  	[sflag:s22] =	ssyncadd.s32 s3;
	_ =	sdelay $0x1  }
0xa1: {  	s23 =	simm.s32 $0x1B8B  }
0xa2: {  	_ =	swait.ge [sflag:s23], $0x1  }
0xa3: {  	[sflag:s23] =	ssyncset.done $0x0  }
0xa4: {  	s25 =	simm.s32 $0x1B8E;
	s24 =	sld [smem:$0x3FFE];
	[sflag:s23] =	ssyncadd.s32 $0xFFFFFFFF  }
0xa5: {  	s26 =	simm.s32 $execute0_lowered;
	[smem:$0x3FD2] =	sst s25  }
0xa6: {  	s4 =	sshll.u32 s26, $0x1;
	_ =	strace $0x80000046;
	[dreg:$0x1] =	wrdreg $0xFFFFFFFF  }
0xa7: {  	s28 =	simm.s32 $_size_execute0_lowered;
	s2 =	sadd.s32 s2, s4;
	[dreg:$0x0] =	wrdreg $0x0  }
0xa8: {  	s4 =	sshll.u32 s28, $0x1;
	[dreg:$0x2] =	wrdreg s2  }
0xa9: {  	[dreg:$0x3] =	wrdreg s4  }
0xaa: {  	[dreg:$0x4] =	wrdreg $0xC0  }
0xab: {  	_ =	task [dreg:s6], $0x5FFFF  }
0xac: {  	[dreg:$0x1] =	wrdreg $0xFFFFFFFF  }
0xad: {  	[dreg:$0x0] =	wrdreg $0x60  }
0xae: {  	[dreg:$0x2] =	wrdreg s24  }
0xaf: {  	[dreg:$0x3] =	wrdreg $0x9  }
0xb0: {  	_ =	task.clear_ibuf [dreg:s6], $0x4FFFF;
	_ =	strace $0x90000046  }
0xb1: {  	s29 =	simm.s32 $0x9;
	_ =	strace $0x80000048  }
0xb2: {  	_ =	swait.ge [sflag:s29], $0x1  }
0xb3: {  	[sflag:s29] =	ssyncadd.s32 $0xFFFFFFFF  }
0xb4: {  	_ =	strace $0x90000048  }
0xb5: {  	_ =	sfence  }
0xb6: {  	s30 =	sld [smem:$0x0];
	_ =	sdelay $0x2  }
0xb7: {  	s31 =	sshll.u32 s1, $0xD;
	s1 =	sshrl.u32 s1, $0x2  }
0xb8: {  	s3 =	sand.u32 $0x4000, s31;
	s1 =	sadd.s32 s1, s30  }
0xb9: {  	s0 =	sor.u32 s3, s0;
	s1 =	sshll.u32 s1, $0x11  }
0xba: {  	s0 =	sor.u32 s1, s0  }
0xbb: {  	s0 =	sadd.s32 $0x8F2B, s0  }
0xbc: {  	[sflag:s0] =	ssyncadd.remote.s32 $0x1  }
0xbd: {  	_ =	sfence.sel $0xFFFF  }
0xbe: {  	[dreg:$0x0] =	wrdreg $0xFFFFFFFF;
	(pc) =	sbr.abs _section_cstart, $3  }
0xbf: {  	[dreg:$0x1] =	wrdreg $0xFFFFFFFF  }
0xc0: {  	_ =	task.clear_ibuf [dreg:s6], $0x2FFFF;
	_ =	strace $0x9FFFFFFF  }
0xc1: {  	(tm) =	ssettm $0x7FFFFFFF  }
tec
execute0_lowered:
.L_overlay_start_1:
0x0: {  	(tag) =	ssettag $0x1  }
0x1: {  	s1 =	srdreg.scid;
	s0 =	stileid.u32  }
0x2: {  	s7 =	sand.u32 $0x1, s1;
	s30 =	sshll.u32 s0, $0x1  }
0x3: {  	s5 =	rddreg [dreg:$0x0];
	s6 =	sor.u32 s7, s30  }
0x4: {  	s2 =	simm.s32 $0x0;
	s1 =	rddreg [dreg:$0x1];
	s3 =	sshll.u32 s6, $0x5  }
0x5: {  	[smem:$0x7FF] =	sst s2;
	s3 =	sadd.s32 s3, s5  }
0x6: {  	_ =	strace $0x80000047;
	s4 =	sadd.s32 $0xE00, s3;
	s3 =	simm.s32 $0x1  }
0x7: {  	v0 =	vimm.s32 $0x76543210;
	[tilespmem:s2], [sflag:$0x1] =	stream.linear.gather [hbm4b:s4+s2], $0x100, $0x38;
	[tilespmem:$0x180] =	vst v63  }
0x8: {  	v1 =	vimm.s32 $0xFEDCBA98;
	v2 =	vimm.s32 $0xBA98FEDC;
	v3 =	vimm.s32 $0x32107654;
	_ =	swait.ge [sflag:s3], $0x100  }
0x9: {  	v1 =	vunpack.c.l.s4.s8 v1;
	v2 =	vunpack.c.l.s4.s8 v2;
	v3 =	vunpack.c.l.s4.s8 v3;
	[sflag:s3] =	ssyncset.done $0x0  }
0xa: {  	v0 =	vunpack.c.l.s4.s8 v0;
	[sflag:s3] =	ssyncadd.s32 $0xFFFFFF00  }
0xb: {  	v1 =	vunpack.c.0.s8.s32 v1;
	v2 =	vunpack.c.0.s8.s32 v2;
	v3 =	vunpack.c.0.s8.s32 v3;
	v5 =	vld [tilespmem:$0x0]  }
0xc: {  	v0 =	vunpack.c.0.s8.s32 v0  }
0xd: {  	v4 =	vimm.s32 $0x54761032;
	v1 =	vand.u32 $0xF, v1;
	v2 =	vcombine.low v3, v2;
	v6 =	vld [tilespmem:$0x80]  }
0xe: {  	v8 =	vimm.s32 $0x67452301;
	v3 =	vimm.s32 $0xDCFE98BA;
	v0 =	vcombine.low v1, v0  }
0xf: {  	v3 =	vunpack.c.l.s4.s8 v3;
	v1 =	vand.u32 $0xF, v2;
	v2 =	vunpack.c.l.s4.s8 v4  }
0x10: {  	v8 =	vunpack.c.l.s4.s8 v8;
	v7 =	vperm.xlane v5, v0  }
0x11: {  	v4 =	vimm.s32 $0xEFCDAB89;
	v3 =	vunpack.c.0.s8.s32 v3;
	v2 =	vunpack.c.0.s8.s32 v2  }
0x12: {  	v4 =	vunpack.c.l.s4.s8 v4;
	v9 =	vperm.xlane v6, v0;
	v7 =	vmax.f32 v5, v7  }
0x13: {  	v2 =	vcombine.low v2, v3;
	v3 =	vperm.xlane v7, v1  }
0x14: {  	v8 =	vunpack.c.0.s8.s32 v8;
	v4 =	vunpack.c.0.s8.s32 v4;
	v9 =	vmax.f32 v6, v9  }
0x15: {  	v2 =	vand.u32 $0xF, v2;
	v10 =	vperm.xlane v9, v1;
	v7 =	vmax.f32 v7, v3  }
0x16: {  	v3 =	vcombine.low v8, v4;
	v4 =	vperm.xlane v7, v2  }
0x17: {  	v59 =	vmax.f32 v9, v10  }
0x18: {  	v9 =	vperm.xlane v59, v2;
	v3 =	vand.u32 $0xF, v3;
	v4 =	vmax.f32 v7, v4  }
0x19: {  	v7 =	vperm.xlane v4, v3  }
0x1a: {  	v8 =	vmax.f32 v59, v9  }
0x1b: {  	v9 =	vperm.xlane v8, v3;
	v7 =	vmax.f32 v4, v7  }
0x1c: {  	v4 =	vlaneseq.u32;
	vm0 =	veq.f32 v5, v7  }
0x1d: {  	v5 =	vmax.f32 v8, v9;
	v60 =	vnsel vm0, $0x10, v4  }
0x1e: {  	vm0 =	veq.f32 v6, v5;
	v6 =	vperm.xlane v60, v0  }
0x1f: {  	v61 =	vnsel vm0, $0x10, v4  }
0x20: {  	v62 =	vperm.xlane v61, v0;
	vm0 =	vlt.s32 v60, v6  }
0x21: {  	v6 =	vsel vm0, v60, v6  }
0x22: {  	vm0 =	vlt.s32 v61, v62;
	v8 =	vperm.xlane v6, v1  }
0x23: {  	v9 =	vsel vm0, v61, v62  }
0x24: {  	v10 =	vperm.xlane v9, v1;
	vm0 =	vlt.s32 v6, v8  }
0x25: {  	v6 =	vsel vm0, v6, v8  }
0x26: {  	vm0 =	vlt.s32 v9, v10;
	v8 =	vperm.xlane v6, v2  }
0x27: {  	v9 =	vsel vm0, v9, v10  }
0x28: {  	v10 =	vperm.xlane v9, v2;
	vm0 =	vlt.s32 v6, v8  }
0x29: {  	v6 =	vsel vm0, v6, v8  }
0x2a: {  	vm0 =	vlt.s32 v9, v10;
	v8 =	vperm.xlane v6, v3  }
0x2b: {  	v9 =	vsel vm0, v9, v10  }
0x2c: {  	v10 =	vperm.xlane v9, v3;
	vm0 =	vlt.s32 v6, v8  }
0x2d: {  	v6 =	vsel vm0, v6, v8  }
0x2e: {  	vm0 =	vlt.s32 v9, v10;
	v6 =	vcvt.s32.f32 v6  }
0x2f: {  	v63 =	vsel vm0, v9, v10  }
0x30: {  	v8 =	vcvt.s32.f32 v63;
	v6 =	vmul.f32 $1.000000010e-01, v6;
	_ =	sdelay $0x1  }
0x31: {  	v8 =	vmul.f32 $1.000000010e-01, v8;
	v6 =	vadd.f32 $5.000000000e-01, v6  }
0x32: {  	s7 =	ssub.s32 $0x2, s7  }
0x33: {  	s8 =	sshrl.u32 s7, $0x1;
	vm0 =	vmmov $0x1;
	v8 =	vadd.f32 $5.000000000e-01, v8;
	v6 =	vmul.f32 v6, v6  }
0x34: {  	vm1 =	vcmask $0x310;
	vm2 =	vcmask $0xB08;
	s31 =	ssub.s32 s7, s8;
	v7 =	vnsel vm0, $0x0, v7  }
0x35: {  	vm2 =	vmor vm1, vm2;
	s7 =	smax.u32 s31, $0x1;
	v6 =	vsel vm1, v7, v6;
	v7 =	vmul.f32 v8, v8  }
0x36: {  	vm3 =	vcmask $0xB10;
	s6 =	sshll.u32 s6, $0x4;
	p0 =	sne.s32 s7, $0x1;
	v5 =	vsel vm2, v6, v5  }
.Ltmp0:
0x37: {  	s5 =	sadd.s32 s6, s5;
	v5 =	vsel vm3, v5, v7;
	(pc) =	sbr.rel @!p0 .LBB2_2-.Ltmp0, $4  }
0x38: {  	s6 =	simm.s32 $0x100;
	s5 =	sadd.s32 $0x1200, s5;
	[tilespmem:$0x100] =	vst v5  }
0x39: {  	[hbm4b:s5+s2] =	stream.linear.scatter [tilespmem:s6], [sflag:$0x1], $0x80, $0x38;
	[tilespmem:$0x180] =	vst v63  }
0x3a: {  	_ =	swait.ge [sflag:s3], $0x80  }
0x3b: {  	s7 =	sadd.s32 $0xFFFFFFFF, s7;
	[sflag:s3] =	ssyncset.done $0x0  }
.LBB2_1:
0x3c: {  	p0 =	sne.s32 s7, $0x1;
	s7 =	sadd.s32 $0xFFFFFFFF, s7;
	[sflag:s3] =	ssyncadd.s32 $0xFFFFFF80  }
0x3d: {  	[tilespmem:s2], [sflag:$0x1] =	stream.linear.gather [hbm4b:s4+s2], $0x100, $0x38;
	[tilespmem:$0x180] =	vst v63  }
0x3e: {  	_ =	swait.ge [sflag:s3], $0x100  }
0x3f: {  	[sflag:s3] =	ssyncset.done $0x0  }
0x40: {  	[sflag:s3] =	ssyncadd.s32 $0xFFFFFF00  }
0x41: {  	v5 =	vld [tilespmem:$0x0]  }
0x42: {  	v6 =	vld [tilespmem:$0x80];
	_ =	sdelay $0x3  }
0x43: {  	v7 =	vperm.xlane v5, v0  }
0x44: {  	v8 =	vperm.xlane v6, v0  }
0x45: {  	v7 =	vmax.f32 v5, v7  }
0x46: {  	v9 =	vperm.xlane v7, v1;
	v8 =	vmax.f32 v6, v8  }
0x47: {  	v10 =	vperm.xlane v8, v1  }
0x48: {  	v7 =	vmax.f32 v7, v9  }
0x49: {  	v9 =	vperm.xlane v7, v2;
	v8 =	vmax.f32 v8, v10  }
0x4a: {  	v10 =	vperm.xlane v8, v2  }
0x4b: {  	v7 =	vmax.f32 v7, v9  }
0x4c: {  	v9 =	vperm.xlane v7, v3;
	v8 =	vmax.f32 v8, v10  }
0x4d: {  	v10 =	vperm.xlane v8, v3  }
0x4e: {  	v7 =	vmax.f32 v7, v9  }
0x4f: {  	vm4 =	veq.f32 v5, v7;
	v5 =	vmax.f32 v8, v10  }
0x50: {  	v8 =	vnsel vm4, $0x10, v4;
	vm4 =	veq.f32 v6, v5  }
0x51: {  	v6 =	vperm.xlane v8, v0;
	v9 =	vnsel vm4, $0x10, v4  }
0x52: {  	v10 =	vperm.xlane v9, v0  }
0x53: {  	vm4 =	vlt.s32 v8, v6  }
0x54: {  	v6 =	vsel vm4, v8, v6;
	vm4 =	vlt.s32 v9, v10  }
0x55: {  	v8 =	vperm.xlane v6, v1;
	v9 =	vsel vm4, v9, v10  }
0x56: {  	v10 =	vperm.xlane v9, v1  }
0x57: {  	vm4 =	vlt.s32 v6, v8  }
0x58: {  	v6 =	vsel vm4, v6, v8;
	vm4 =	vlt.s32 v9, v10  }
0x59: {  	v8 =	vperm.xlane v6, v2;
	v9 =	vsel vm4, v9, v10  }
0x5a: {  	v10 =	vperm.xlane v9, v2  }
0x5b: {  	vm4 =	vlt.s32 v6, v8  }
0x5c: {  	v6 =	vsel vm4, v6, v8;
	vm4 =	vlt.s32 v9, v10  }
0x5d: {  	v8 =	vperm.xlane v6, v3;
	v9 =	vsel vm4, v9, v10  }
0x5e: {  	v10 =	vperm.xlane v9, v3  }
0x5f: {  	vm4 =	vlt.s32 v6, v8  }
0x60: {  	v6 =	vsel vm4, v6, v8;
	vm4 =	vlt.s32 v9, v10  }
0x61: {  	v6 =	vcvt.s32.f32 v6;
	v8 =	vsel vm4, v9, v10  }
0x62: {  	v8 =	vcvt.s32.f32 v8  }
0x63: {  	v6 =	vmul.f32 $1.000000010e-01, v6  }
0x64: {  	v8 =	vmul.f32 $1.000000010e-01, v8  }
0x65: {  	v6 =	vadd.f32 $5.000000000e-01, v6  }
0x66: {  	v8 =	vadd.f32 $5.000000000e-01, v8  }
0x67: {  	v6 =	vmul.f32 v6, v6  }
0x68: {  	v7 =	vnsel vm0, $0x0, v7  }
0x69: {  	v6 =	vsel vm1, v7, v6;
	v7 =	vmul.f32 v8, v8  }
0x6a: {  	v5 =	vsel vm2, v6, v5  }
.Ltmp1:
0x6b: {  	v5 =	vsel vm3, v5, v7;
	(pc) =	sbr.rel @p0 .LBB2_1-.Ltmp1, $4  }
0x6c: {  	[tilespmem:$0x100] =	vst v5  }
0x6d: {  	[hbm4b:s5+s2] =	stream.linear.scatter [tilespmem:s6], [sflag:$0x1], $0x80, $0x38;
	[tilespmem:$0x180] =	vst v63  }
0x6e: {  	_ =	swait.ge [sflag:s3], $0x80  }
0x6f: {  	[sflag:s3] =	ssyncset.done $0x0  }
.LBB2_2:
0x70: {  	[sflag:s3] =	ssyncadd.s32 $0xFFFFFF80  }
0x71: {  	_ =	sfence.sel $0x180000  }
0x72: {  	[bflag:$0x0] =	sbarrier.arrive $0xFFFF  }
0x73: {  	p0 =	sne.s32 s0, $0x0;
	_ =	strace $0x90000047  }
0x74: {  	s0 =	sadd.s32 @!p0 $0x100000, s1;
	[bflag:$0x2] =	sbarrier.arrive $0xFFFF  }
0x75: {  	[sflag:s0] =	ssyncadd.tile.s32 @!p0 $0x1;
	_ =	shalt  }
.Lfunc_end2:
_tile_overlayer_lowered:
.L_overlay_start_2:
0x76: {  	(tag) =	ssettag $0x2  }
0x77: {  	s0 =	rddreg [dreg:$0x0];
	s2 =	stileid.u32  }
0x78: {  	s1 =	rddreg [dreg:$0x1];
	p0 =	sne.s32 s2, $0x0  }
0x79: {  	s3 =	rddreg [dreg:$0x2];
	[bflag:$0x3] =	sbarrier.arrive $0xFFFF;
	s2 =	simm.s32 @!p0 $0x1C01  }
0x7a: {  	[timem:s3], [sflag:s2] =	dma.local @!p0 [hbm:s0], s1  }
0x7b: {  	s0 =	simm.s32 @!p0 $0x1  }
0x7c: {  	_ =	swait.ge @!p0 [sflag:s0], s1  }
0x7d: {  	s1 =	ssub.s32 @!p0 $0x0, s1;
	[sflag:s0] =	ssyncset.done @!p0 $0x0  }
0x7e: {  	[sflag:s0] =	ssyncadd.s32 @!p0 s1  }
0x7f: {  	[bflag:$0x3] =	sbarrier.arrive $0xFFFF  }
0x80: {  	_ =	shalt  }

</sc_bundles>
